<compile_context>
chip_gen: v7x
topology: tpu7x:2x2x1
jax: 0.10.2.dev20260603
libtpu: 0.0.44.dev20260713+nightly
codegen_flags: <defaults>
</compile_context>

<pallas_src>
import functools

import jax
import jax.numpy as jnp
from jax import lax
from jax.experimental import pallas as pl
from jax.experimental.pallas import tpu as pltpu
from jax.experimental.pallas import tpu_sc as plsc

E = 6_400_000
N = 100_000
NW = 32
EPW = E // NW
NTAB = 100_096

C1 = 4_000
NCH1 = EPW // C1
G1 = C1 // 16
U1 = 10
UE1 = 10

C2 = 4_000
NCH2 = EPW // C2
G2 = C2 // 16
U2 = 10
UE2 = 25

_mesh = plsc.VectorSubcoreMesh(core_axis_name="c", subcore_axis_name="s")
_params = pltpu.CompilerParams(needs_layout_passes=False)


def _worker():
    return lax.axis_index("c") * 16 + lax.axis_index("s")


@functools.partial(
    pl.kernel,
    out_type=[jax.ShapeDtypeStruct((NW * NTAB,), jnp.float32),
              jax.ShapeDtypeStruct((E,), jnp.float32)],
    mesh=_mesh,
    scratch_types=[
        pltpu.VMEM((NTAB,), jnp.float32),
        pltpu.VMEM((C1,), jnp.int32),
        pltpu.VMEM((C1,), jnp.int32),
        pltpu.VMEM((C1,), jnp.float32),
        pltpu.VMEM((C1,), jnp.float32),
        pltpu.VMEM((C1,), jnp.float32),
        pltpu.VMEM((C1,), jnp.float32),
        pltpu.SemaphoreType.DMA((2,)),
        pltpu.SemaphoreType.DMA((2,)),
        pltpu.SemaphoreType.DMA((2,)),
    ],
    compiler_params=_params,
)
def _segment_sum(seg, w, out, ew_out, denom_v, idx_v0, idx_v1, w_v0, w_v1,
                 ew_v0, ew_v1, isem, wsem, esem):
    wid = _worker()
    idx_b = (idx_v0, idx_v1)
    w_b = (w_v0, w_v1)
    ew_b = (ew_v0, ew_v1)

    def start(j, b):
        base = wid * EPW + j * C1
        pltpu.async_copy(seg.at[pl.ds(base, C1)], idx_b[b], isem.at[b])
        pltpu.async_copy(w.at[pl.ds(base, C1)], w_b[b], wsem.at[b])

    start(0, 0)
    start(1, 1)

    zero16 = jnp.zeros((16,), jnp.float32)

    def zb(r, carry):
        for u in range(8):
            denom_v[pl.ds(r * 128 + u * 16, 16)] = zero16
        return carry
    lax.fori_loop(0, NTAB // 128, zb, 0)

    def pair(p, carry):
        for b in range(2):
            j = p * 2 + b
            pltpu.make_async_copy(seg.at[pl.ds(0, C1)], idx_b[b],
                                  isem.at[b]).wait()
            pltpu.make_async_copy(w.at[pl.ds(0, C1)], w_b[b],
                                  wsem.at[b]).wait()

            @pl.when(j >= 2)
            def _():
                pltpu.make_async_copy(ew_b[b], ew_out.at[pl.ds(0, C1)],
                                      esem.at[b]).wait()

            def grp(g, cc):
                o0 = g * U1 * 16
                idxs = [idx_b[b][pl.ds(o0 + u * 16, 16)]
                        for u in range(U1)]
                ews = [jnp.exp(w_b[b][pl.ds(o0 + u * 16, 16)])
                       for u in range(U1)]
                for u in range(U1):
                    ew_b[b][pl.ds(o0 + u * 16, 16)] = ews[u]
                for u in range(U1):
                    plsc.addupdate_scatter(denom_v, [idxs[u]], ews[u])
                return cc
            lax.fori_loop(0, G1 // U1, grp, 0)

            @pl.when(j + 2 < NCH1)
            def _():
                start(j + 2, b)

            base = wid * EPW + j * C1
            pltpu.async_copy(ew_b[b], ew_out.at[pl.ds(base, C1)], esem.at[b])
        return carry
    lax.fori_loop(0, NCH1 // 2, pair, 0)

    for b in range(2):
        pltpu.make_async_copy(ew_b[b], ew_out.at[pl.ds(0, C1)],
                              esem.at[b]).wait()

    pltpu.sync_copy(denom_v, out.at[pl.ds(wid * NTAB, NTAB)])


@functools.partial(
    pl.kernel,
    out_type=jax.ShapeDtypeStruct((E,), jnp.float32),
    mesh=_mesh,
    scratch_types=[
        pltpu.VMEM((NTAB,), jnp.float32),
        pltpu.VMEM((C2,), jnp.int32),
        pltpu.VMEM((C2,), jnp.int32),
        pltpu.VMEM((C2,), jnp.float32),
        pltpu.VMEM((C2,), jnp.float32),
        pltpu.VMEM((C2,), jnp.float32),
        pltpu.VMEM((C2,), jnp.float32),
        pltpu.SemaphoreType.DMA((2,)),
        pltpu.SemaphoreType.DMA((2,)),
        pltpu.SemaphoreType.DMA((2,)),
        pltpu.SemaphoreType.DMA,
    ],
    compiler_params=_params,
)
def _normalize(seg, ew, denom_inv, out, denom_v, idx_v0, idx_v1, w_v0, w_v1,
               out_v0, out_v1, isem, wsem, osem, dsem):
    wid = _worker()
    idx_b = (idx_v0, idx_v1)
    w_b = (w_v0, w_v1)
    out_b = (out_v0, out_v1)

    ddenom = pltpu.async_copy(denom_inv, denom_v, dsem)

    def start(j, b):
        base = wid * EPW + j * C2
        pltpu.async_copy(seg.at[pl.ds(base, C2)], idx_b[b], isem.at[b])
        pltpu.async_copy(ew.at[pl.ds(base, C2)], w_b[b], wsem.at[b])

    start(0, 0)
    start(1, 1)
    ddenom.wait()

    def pair(p, carry):
        for b in range(2):
            j = p * 2 + b
            pltpu.make_async_copy(seg.at[pl.ds(0, C2)], idx_b[b],
                                  isem.at[b]).wait()
            pltpu.make_async_copy(ew.at[pl.ds(0, C2)], w_b[b],
                                  wsem.at[b]).wait()

            @pl.when(j >= 2)
            def _():
                pltpu.make_async_copy(out_b[b], out.at[pl.ds(0, C2)],
                                      osem.at[b]).wait()

            def grp(g, cc):
                o0 = g * U2 * 16
                idxs = [idx_b[b][pl.ds(o0 + u * 16, 16)]
                        for u in range(U2)]
                ews = [w_b[b][pl.ds(o0 + u * 16, 16)]
                       for u in range(U2)]
                dinvs = [plsc.load_gather(denom_v, [idxs[u]])
                         for u in range(U2)]
                for u in range(U2):
                    out_b[b][pl.ds(o0 + u * 16, 16)] = ews[u] * dinvs[u]
                return cc
            lax.fori_loop(0, G2 // U2, grp, 0)

            base = wid * EPW + j * C2
            pltpu.async_copy(out_b[b], out.at[pl.ds(base, C2)], osem.at[b])

            @pl.when(j + 2 < NCH2)
            def _():
                start(j + 2, b)
        return carry
    lax.fori_loop(0, NCH2 // 2, pair, 0)

    for b in range(2):
        pltpu.make_async_copy(out_b[b], out.at[pl.ds(0, C2)],
                              osem.at[b]).wait()


def kernel(edge_index, edge_weight):
    seg = edge_index[1]
    partial, ew = _segment_sum(seg, edge_weight)
    acc = partial[0:NTAB]
    for t in range(1, NW):
        acc = acc + partial[t * NTAB:(t + 1) * NTAB]
    denom_inv = 1.0 / acc
    wnorm = _normalize(seg, ew, denom_inv)
    return (edge_index, wnorm)

# --- scband reference (transcript-rebuilt; emitter-appended) ---
"""Pipeline reference for scband-gc-softmax-54065048322743 (READ-ONLY COPY).

The authoritative reference and input builder live on the scoring server;
editing this copy changes nothing except your own understanding.
"""

import jax, jax.numpy as jnp
import numpy as np

N_NODES = 100000
N_EDGES = 6400000


def setup_inputs(seed: int = 0) -> dict:
    key = jax.random.key(seed)
    k1, k2 = jax.random.split(key)
    edge_index = jax.random.randint(k1, (2, N_EDGES), 0, N_NODES, dtype=jnp.int32)
    edge_weight = jax.random.normal(k2, (N_EDGES,), dtype=jnp.float32)
    return {"edge_index": edge_index, "edge_weight": edge_weight}


def reference(edge_index, edge_weight):
    # frmt='coo' branch of gcSoftmax: edge-wise softmax normalized over
    # incoming edges of each destination node (edge_index row 1).
    # pyg_util.normalize_edge_weight(edge_index, exp(w), 1):
    #   denom[n] = sum of exp(w_e) over edges e with dst(e) == n
    #   w_norm_e = exp(w_e) / denom[dst(e)]
    ew = jnp.exp(edge_weight)
    seg = edge_index[1]
    denom = jax.ops.segment_sum(ew, seg, num_segments=N_NODES)
    edge_weight_norm = ew / jnp.take(denom, seg, axis=0)
    return (edge_index, edge_weight_norm)

if __name__ == "__main__":
    import jax
    _d = setup_inputs()
    print(jax.jit(kernel)(*tuple(_d.values())))

</pallas_src>

<mosaic_0001>
#map = affine_map<(d0, d1) -> (0)>
module attributes {stable_mosaic.version = 14 : i64} {
  func.func @_normalize(%arg0: i32, %arg1: i32, %arg2: memref<6400000xi32, #tpu.memory_space<hbm>>, %arg3: memref<6400000xf32, #tpu.memory_space<hbm>>, %arg4: memref<100096xf32, #tpu.memory_space<hbm>>, %arg5: memref<6400000xf32, #tpu.memory_space<hbm>>, %arg6: memref<100096xf32, #tpu.memory_space<vmem>>, %arg7: memref<4000xi32, #tpu.memory_space<vmem>>, %arg8: memref<4000xi32, #tpu.memory_space<vmem>>, %arg9: memref<4000xf32, #tpu.memory_space<vmem>>, %arg10: memref<4000xf32, #tpu.memory_space<vmem>>, %arg11: memref<4000xf32, #tpu.memory_space<vmem>>, %arg12: memref<4000xf32, #tpu.memory_space<vmem>>, %arg13: memref<2x!tpu.dma_semaphore, #tpu.memory_space<semaphore_mem>>, %arg14: memref<2x!tpu.dma_semaphore, #tpu.memory_space<semaphore_mem>>, %arg15: memref<2x!tpu.dma_semaphore, #tpu.memory_space<semaphore_mem>>, %arg16: memref<!tpu.dma_semaphore, #tpu.memory_space<semaphore_mem>>) attributes {dimension_semantics = [#tpu.dimension_semantics<core_parallel>, #tpu.dimension_semantics<subcore_parallel>], iteration_bounds = array<i64: 2, 16>, scalar_prefetch = 0 : i64, scratch_operands = 11 : i64, tpu.core_type = #tpu.core_type<sc_vector_subcore>, window_params = [{transform_indices = #map}, {transform_indices = #map}, {transform_indices = #map}, {transform_indices = #map}]} {
    %mul3A = arith.constant 16 : i32
    %mul3A_0 = arith.muli %arg0, %mul3A : i32
    %add3A = arith.addi %mul3A_0, %arg1 : i32
    tpu.enqueue_dma source(%arg4 : memref<100096xf32, #tpu.memory_space<hbm>>) target(%arg6 : memref<100096xf32, #tpu.memory_space<vmem>>) target_semaphore(%arg16 : memref<!tpu.dma_semaphore, #tpu.memory_space<semaphore_mem>>)
    %mul3A_1 = arith.constant 200000 : i32
    %mul3A_2 = arith.muli %add3A, %mul3A_1 : i32
    %add3A_3 = arith.constant 0 : i32
    %add3A_4 = arith.addi %mul3A_2, %add3A_3 : i32
    %dma_start3A = arith.constant 0 : i32
    %dma_start3A_5 = tpu.memref_slice %arg2[%add3A_4] : memref<6400000xi32, #tpu.memory_space<hbm>> -> memref<4000xi32, #tpu.memory_space<hbm>>
    %dma_start3A_6 = tpu.memref_slice %arg13[%dma_start3A] : memref<2x!tpu.dma_semaphore, #tpu.memory_space<semaphore_mem>> -> memref<1x!tpu.dma_semaphore, #tpu.memory_space<semaphore_mem>>
    %dma_start3A_7 = tpu.memref_squeeze %dma_start3A_6 : memref<1x!tpu.dma_semaphore, #tpu.memory_space<semaphore_mem>> -> memref<!tpu.dma_semaphore, #tpu.memory_space<semaphore_mem>>
    %dma_start3A_8 = tpu.memref_slice %arg2[%add3A_4] : memref<6400000xi32, #tpu.memory_space<hbm>> -> memref<4000xi32, #tpu.memory_space<hbm>>
    tpu.enqueue_dma source(%dma_start3A_8 : memref<4000xi32, #tpu.memory_space<hbm>>) target(%arg7 : memref<4000xi32, #tpu.memory_space<vmem>>) target_semaphore(%dma_start3A_7 : memref<!tpu.dma_semaphore, #tpu.memory_space<semaphore_mem>>)
    %dma_start3A_9 = arith.constant 0 : i32
    %dma_start3A_10 = tpu.memref_slice %arg3[%add3A_4] : memref<6400000xf32, #tpu.memory_space<hbm>> -> memref<4000xf32, #tpu.memory_space<hbm>>
    %dma_start3A_11 = tpu.memref_slice %arg14[%dma_start3A_9] : memref<2x!tpu.dma_semaphore, #tpu.memory_space<semaphore_mem>> -> memref<1x!tpu.dma_semaphore, #tpu.memory_space<semaphore_mem>>
    %dma_start3A_12 = tpu.memref_squeeze %dma_start3A_11 : memref<1x!tpu.dma_semaphore, #tpu.memory_space<semaphore_mem>> -> memref<!tpu.dma_semaphore, #tpu.memory_space<semaphore_mem>>
    %dma_start3A_13 = tpu.memref_slice %arg3[%add3A_4] : memref<6400000xf32, #tpu.memory_space<hbm>> -> memref<4000xf32, #tpu.memory_space<hbm>>
    tpu.enqueue_dma source(%dma_start3A_13 : memref<4000xf32, #tpu.memory_space<hbm>>) target(%arg9 : memref<4000xf32, #tpu.memory_space<vmem>>) target_semaphore(%dma_start3A_12 : memref<!tpu.dma_semaphore, #tpu.memory_space<semaphore_mem>>)
    %mul3A_14 = arith.constant 200000 : i32
    %mul3A_15 = arith.muli %add3A, %mul3A_14 : i32
    %add3A_16 = arith.constant 4000 : i32
    %add3A_17 = arith.addi %mul3A_15, %add3A_16 : i32
    %dma_start3A_18 = arith.constant 1 : i32
    %dma_start3A_19 = tpu.memref_slice %arg2[%add3A_17] : memref<6400000xi32, #tpu.memory_space<hbm>> -> memref<4000xi32, #tpu.memory_space<hbm>>
    %dma_start3A_20 = tpu.memref_slice %arg13[%dma_start3A_18] : memref<2x!tpu.dma_semaphore, #tpu.memory_space<semaphore_mem>> -> memref<1x!tpu.dma_semaphore, #tpu.memory_space<semaphore_mem>>
    %dma_start3A_21 = tpu.memref_squeeze %dma_start3A_20 : memref<1x!tpu.dma_semaphore, #tpu.memory_space<semaphore_mem>> -> memref<!tpu.dma_semaphore, #tpu.memory_space<semaphore_mem>>
    %dma_start3A_22 = tpu.memref_slice %arg2[%add3A_17] : memref<6400000xi32, #tpu.memory_space<hbm>> -> memref<4000xi32, #tpu.memory_space<hbm>>
    tpu.enqueue_dma source(%dma_start3A_22 : memref<4000xi32, #tpu.memory_space<hbm>>) target(%arg8 : memref<4000xi32, #tpu.memory_space<vmem>>) target_semaphore(%dma_start3A_21 : memref<!tpu.dma_semaphore, #tpu.memory_space<semaphore_mem>>)
    %dma_start3A_23 = arith.constant 1 : i32
    %dma_start3A_24 = tpu.memref_slice %arg3[%add3A_17] : memref<6400000xf32, #tpu.memory_space<hbm>> -> memref<4000xf32, #tpu.memory_space<hbm>>
    %dma_start3A_25 = tpu.memref_slice %arg14[%dma_start3A_23] : memref<2x!tpu.dma_semaphore, #tpu.memory_space<semaphore_mem>> -> memref<1x!tpu.dma_semaphore, #tpu.memory_space<semaphore_mem>>
    %dma_start3A_26 = tpu.memref_squeeze %dma_start3A_25 : memref<1x!tpu.dma_semaphore, #tpu.memory_space<semaphore_mem>> -> memref<!tpu.dma_semaphore, #tpu.memory_space<semaphore_mem>>
    %dma_start3A_27 = tpu.memref_slice %arg3[%add3A_17] : memref<6400000xf32, #tpu.memory_space<hbm>> -> memref<4000xf32, #tpu.memory_space<hbm>>
    tpu.enqueue_dma source(%dma_start3A_27 : memref<4000xf32, #tpu.memory_space<hbm>>) target(%arg10 : memref<4000xf32, #tpu.memory_space<vmem>>) target_semaphore(%dma_start3A_26 : memref<!tpu.dma_semaphore, #tpu.memory_space<semaphore_mem>>)
    tpu.wait_dma2 semaphore(%arg16 : memref<!tpu.dma_semaphore, #tpu.memory_space<semaphore_mem>>) src(%arg4 : memref<100096xf32, #tpu.memory_space<hbm>>) dst(%arg6 : memref<100096xf32, #tpu.memory_space<vmem>>)
    %scan3A = arith.constant 0 : i32
    %scan3A_28 = arith.constant 0 : i32
    %scan3A_29 = arith.constant 25 : i32
    %scan3A_30 = arith.addi %scan3A_28, %scan3A_29 : i32
    %scan3A_31 = arith.constant 1 : i32
    scf.for %scan3A_46 = %scan3A_28 to %scan3A_30 step %scan3A_31  : i32 {
      %mul3A_47 = arith.constant 2 : i32
      %mul3A_48 = arith.muli %scan3A_46, %mul3A_47 : i32
      %add3A_49 = arith.constant 0 : i32
      %add3A_50 = arith.addi %mul3A_48, %add3A_49 : i32
      %dma_wait3A_51 = arith.constant 0 : i32
      %dma_wait3A_52 = arith.constant 0 : i32
      %dma_wait3A_53 = tpu.memref_slice %arg2[%dma_wait3A_52] : memref<6400000xi32, #tpu.memory_space<hbm>> -> memref<4000xi32, #tpu.memory_space<hbm>>
      %dma_wait3A_54 = tpu.memref_slice %arg13[%dma_wait3A_51] : memref<2x!tpu.dma_semaphore, #tpu.memory_space<semaphore_mem>> -> memref<1x!tpu.dma_semaphore, #tpu.memory_space<semaphore_mem>>
      %dma_wait3A_55 = tpu.memref_squeeze %dma_wait3A_54 : memref<1x!tpu.dma_semaphore, #tpu.memory_space<semaphore_mem>> -> memref<!tpu.dma_semaphore, #tpu.memory_space<semaphore_mem>>
      %dma_wait3A_56 = arith.constant 0 : i32
      %dma_wait3A_57 = tpu.memref_slice %arg2[%dma_wait3A_56] : memref<6400000xi32, #tpu.memory_space<hbm>> -> memref<4000xi32, #tpu.memory_space<hbm>>
      tpu.wait_dma2 semaphore(%dma_wait3A_55 : memref<!tpu.dma_semaphore, #tpu.memory_space<semaphore_mem>>) src(%dma_wait3A_57 : memref<4000xi32, #tpu.memory_space<hbm>>) dst(%arg7 : memref<4000xi32, #tpu.memory_space<vmem>>)
      %dma_wait3A_58 = arith.constant 0 : i32
      %dma_wait3A_59 = arith.constant 0 : i32
      %dma_wait3A_60 = tpu.memref_slice %arg3[%dma_wait3A_59] : memref<6400000xf32, #tpu.memory_space<hbm>> -> memref<4000xf32, #tpu.memory_space<hbm>>
      %dma_wait3A_61 = tpu.memref_slice %arg14[%dma_wait3A_58] : memref<2x!tpu.dma_semaphore, #tpu.memory_space<semaphore_mem>> -> memref<1x!tpu.dma_semaphore, #tpu.memory_space<semaphore_mem>>
      %dma_wait3A_62 = tpu.memref_squeeze %dma_wait3A_61 : memref<1x!tpu.dma_semaphore, #tpu.memory_space<semaphore_mem>> -> memref<!tpu.dma_semaphore, #tpu.memory_space<semaphore_mem>>
      %dma_wait3A_63 = arith.constant 0 : i32
      %dma_wait3A_64 = tpu.memref_slice %arg3[%dma_wait3A_63] : memref<6400000xf32, #tpu.memory_space<hbm>> -> memref<4000xf32, #tpu.memory_space<hbm>>
      tpu.wait_dma2 semaphore(%dma_wait3A_62 : memref<!tpu.dma_semaphore, #tpu.memory_space<semaphore_mem>>) src(%dma_wait3A_64 : memref<4000xf32, #tpu.memory_space<hbm>>) dst(%arg9 : memref<4000xf32, #tpu.memory_space<vmem>>)
      %ge3A = arith.constant 2 : i32
      %ge3A_65 = arith.cmpi sge, %add3A_50, %ge3A : i32
      %convert_element_type3A = arith.extui %ge3A_65 : i1 to i32
      %cond3A = arith.constant 0 : i32
      %cond3A_66 = arith.cmpi ne, %convert_element_type3A, %cond3A : i32
      scf.if %cond3A_66 {
        %dma_wait3A_135 = arith.constant 0 : i32
        %dma_wait3A_136 = arith.constant 0 : i32
        %dma_wait3A_137 = tpu.memref_slice %arg5[%dma_wait3A_136] : memref<6400000xf32, #tpu.memory_space<hbm>> -> memref<4000xf32, #tpu.memory_space<hbm>>
        %dma_wait3A_138 = tpu.memref_slice %arg15[%dma_wait3A_135] : memref<2x!tpu.dma_semaphore, #tpu.memory_space<semaphore_mem>> -> memref<1x!tpu.dma_semaphore, #tpu.memory_space<semaphore_mem>>
        %dma_wait3A_139 = tpu.memref_squeeze %dma_wait3A_138 : memref<1x!tpu.dma_semaphore, #tpu.memory_space<semaphore_mem>> -> memref<!tpu.dma_semaphore, #tpu.memory_space<semaphore_mem>>
        %dma_wait3A_140 = arith.constant 0 : i32
        %dma_wait3A_141 = tpu.memref_slice %arg5[%dma_wait3A_140] : memref<6400000xf32, #tpu.memory_space<hbm>> -> memref<4000xf32, #tpu.memory_space<hbm>>
        tpu.wait_dma2 semaphore(%dma_wait3A_139 : memref<!tpu.dma_semaphore, #tpu.memory_space<semaphore_mem>>) src(%arg11 : memref<4000xf32, #tpu.memory_space<vmem>>) dst(%dma_wait3A_141 : memref<4000xf32, #tpu.memory_space<hbm>>)
      } else {
      }
      %scan3A_67 = arith.constant 0 : i32
      %scan3A_68 = arith.constant 0 : i32
      %scan3A_69 = arith.constant 25 : i32
      %scan3A_70 = arith.addi %scan3A_68, %scan3A_69 : i32
      %scan3A_71 = arith.constant 1 : i32
      scf.for %scan3A_135 = %scan3A_68 to %scan3A_70 step %scan3A_71  : i32 {
        %mul3A_136 = arith.constant 10 : i32
        %mul3A_137 = arith.muli %scan3A_135, %mul3A_136 : i32
        %mul3A_138 = arith.constant 16 : i32
        %mul3A_139 = arith.muli %mul3A_137, %mul3A_138 : i32
        %add3A_140 = arith.constant 0 : i32
        %add3A_141 = arith.addi %mul3A_139, %add3A_140 : i32
        %get3A = arith.index_cast %add3A_141 : i32 to index
        %get3A_142 = tpu.vector_load %arg7[%get3A] {strides = array<i32>} : memref<4000xi32, #tpu.memory_space<vmem>>, vector<16xi32>,
        %add3A_143 = arith.constant 16 : i32
        %add3A_144 = arith.addi %mul3A_139, %add3A_143 : i32
        %get3A_145 = arith.index_cast %add3A_144 : i32 to index
        %get3A_146 = tpu.vector_load %arg7[%get3A_145] {strides = array<i32>} : memref<4000xi32, #tpu.memory_space<vmem>>, vector<16xi32>,
        %add3A_147 = arith.constant 32 : i32
        %add3A_148 = arith.addi %mul3A_139, %add3A_147 : i32
        %get3A_149 = arith.index_cast %add3A_148 : i32 to index
        %get3A_150 = tpu.vector_load %arg7[%get3A_149] {strides = array<i32>} : memref<4000xi32, #tpu.memory_space<vmem>>, vector<16xi32>,
        %add3A_151 = arith.constant 48 : i32
        %add3A_152 = arith.addi %mul3A_139, %add3A_151 : i32
        %get3A_153 = arith.index_cast %add3A_152 : i32 to index
        %get3A_154 = tpu.vector_load %arg7[%get3A_153] {strides = array<i32>} : memref<4000xi32, #tpu.memory_space<vmem>>, vector<16xi32>,
        %add3A_155 = arith.constant 64 : i32
        %add3A_156 = arith.addi %mul3A_139, %add3A_155 : i32
        %get3A_157 = arith.index_cast %add3A_156 : i32 to index
        %get3A_158 = tpu.vector_load %arg7[%get3A_157] {strides = array<i32>} : memref<4000xi32, #tpu.memory_space<vmem>>, vector<16xi32>,
        %add3A_159 = arith.constant 80 : i32
        %add3A_160 = arith.addi %mul3A_139, %add3A_159 : i32
        %get3A_161 = arith.index_cast %add3A_160 : i32 to index
        %get3A_162 = tpu.vector_load %arg7[%get3A_161] {strides = array<i32>} : memref<4000xi32, #tpu.memory_space<vmem>>, vector<16xi32>,
        %add3A_163 = arith.constant 96 : i32
        %add3A_164 = arith.addi %mul3A_139, %add3A_163 : i32
        %get3A_165 = arith.index_cast %add3A_164 : i32 to index
        %get3A_166 = tpu.vector_load %arg7[%get3A_165] {strides = array<i32>} : memref<4000xi32, #tpu.memory_space<vmem>>, vector<16xi32>,
        %add3A_167 = arith.constant 112 : i32
        %add3A_168 = arith.addi %mul3A_139, %add3A_167 : i32
        %get3A_169 = arith.index_cast %add3A_168 : i32 to index
        %get3A_170 = tpu.vector_load %arg7[%get3A_169] {strides = array<i32>} : memref<4000xi32, #tpu.memory_space<vmem>>, vector<16xi32>,
        %add3A_171 = arith.constant 128 : i32
        %add3A_172 = arith.addi %mul3A_139, %add3A_171 : i32
        %get3A_173 = arith.index_cast %add3A_172 : i32 to index
        %get3A_174 = tpu.vector_load %arg7[%get3A_173] {strides = array<i32>} : memref<4000xi32, #tpu.memory_space<vmem>>, vector<16xi32>,
        %add3A_175 = arith.constant 144 : i32
        %add3A_176 = arith.addi %mul3A_139, %add3A_175 : i32
        %get3A_177 = arith.index_cast %add3A_176 : i32 to index
        %get3A_178 = tpu.vector_load %arg7[%get3A_177] {strides = array<i32>} : memref<4000xi32, #tpu.memory_space<vmem>>, vector<16xi32>,
        %add3A_179 = arith.constant 0 : i32
        %add3A_180 = arith.addi %mul3A_139, %add3A_179 : i32
        %get3A_181 = arith.index_cast %add3A_180 : i32 to index
        %get3A_182 = tpu.vector_load %arg9[%get3A_181] {strides = array<i32>} : memref<4000xf32, #tpu.memory_space<vmem>>, vector<16xf32>,
        %add3A_183 = arith.constant 16 : i32
        %add3A_184 = arith.addi %mul3A_139, %add3A_183 : i32
        %get3A_185 = arith.index_cast %add3A_184 : i32 to index
        %get3A_186 = tpu.vector_load %arg9[%get3A_185] {strides = array<i32>} : memref<4000xf32, #tpu.memory_space<vmem>>, vector<16xf32>,
        %add3A_187 = arith.constant 32 : i32
        %add3A_188 = arith.addi %mul3A_139, %add3A_187 : i32
        %get3A_189 = arith.index_cast %add3A_188 : i32 to index
        %get3A_190 = tpu.vector_load %arg9[%get3A_189] {strides = array<i32>} : memref<4000xf32, #tpu.memory_space<vmem>>, vector<16xf32>,
        %add3A_191 = arith.constant 48 : i32
        %add3A_192 = arith.addi %mul3A_139, %add3A_191 : i32
        %get3A_193 = arith.index_cast %add3A_192 : i32 to index
        %get3A_194 = tpu.vector_load %arg9[%get3A_193] {strides = array<i32>} : memref<4000xf32, #tpu.memory_space<vmem>>, vector<16xf32>,
        %add3A_195 = arith.constant 64 : i32
        %add3A_196 = arith.addi %mul3A_139, %add3A_195 : i32
        %get3A_197 = arith.index_cast %add3A_196 : i32 to index
        %get3A_198 = tpu.vector_load %arg9[%get3A_197] {strides = array<i32>} : memref<4000xf32, #tpu.memory_space<vmem>>, vector<16xf32>,
        %add3A_199 = arith.constant 80 : i32
        %add3A_200 = arith.addi %mul3A_139, %add3A_199 : i32
        %get3A_201 = arith.index_cast %add3A_200 : i32 to index
        %get3A_202 = tpu.vector_load %arg9[%get3A_201] {strides = array<i32>} : memref<4000xf32, #tpu.memory_space<vmem>>, vector<16xf32>,
        %add3A_203 = arith.constant 96 : i32
        %add3A_204 = arith.addi %mul3A_139, %add3A_203 : i32
        %get3A_205 = arith.index_cast %add3A_204 : i32 to index
        %get3A_206 = tpu.vector_load %arg9[%get3A_205] {strides = array<i32>} : memref<4000xf32, #tpu.memory_space<vmem>>, vector<16xf32>,
        %add3A_207 = arith.constant 112 : i32
        %add3A_208 = arith.addi %mul3A_139, %add3A_207 : i32
        %get3A_209 = arith.index_cast %add3A_208 : i32 to index
        %get3A_210 = tpu.vector_load %arg9[%get3A_209] {strides = array<i32>} : memref<4000xf32, #tpu.memory_space<vmem>>, vector<16xf32>,
        %add3A_211 = arith.constant 128 : i32
        %add3A_212 = arith.addi %mul3A_139, %add3A_211 : i32
        %get3A_213 = arith.index_cast %add3A_212 : i32 to index
        %get3A_214 = tpu.vector_load %arg9[%get3A_213] {strides = array<i32>} : memref<4000xf32, #tpu.memory_space<vmem>>, vector<16xf32>,
        %add3A_215 = arith.constant 144 : i32
        %add3A_216 = arith.addi %mul3A_139, %add3A_215 : i32
        %get3A_217 = arith.index_cast %add3A_216 : i32 to index
        %get3A_218 = tpu.vector_load %arg9[%get3A_217] {strides = array<i32>} : memref<4000xf32, #tpu.memory_space<vmem>>, vector<16xf32>,
        %gather3A = tpu.vector_load_idx %arg6[%get3A_142] : memref<100096xf32, #tpu.memory_space<vmem>>[vector<16xi32>], vector<16xf32>,
        %gather3A_219 = tpu.vector_load_idx %arg6[%get3A_146] : memref<100096xf32, #tpu.memory_space<vmem>>[vector<16xi32>], vector<16xf32>,
        %gather3A_220 = tpu.vector_load_idx %arg6[%get3A_150] : memref<100096xf32, #tpu.memory_space<vmem>>[vector<16xi32>], vector<16xf32>,
        %gather3A_221 = tpu.vector_load_idx %arg6[%get3A_154] : memref<100096xf32, #tpu.memory_space<vmem>>[vector<16xi32>], vector<16xf32>,
        %gather3A_222 = tpu.vector_load_idx %arg6[%get3A_158] : memref<100096xf32, #tpu.memory_space<vmem>>[vector<16xi32>], vector<16xf32>,
        %gather3A_223 = tpu.vector_load_idx %arg6[%get3A_162] : memref<100096xf32, #tpu.memory_space<vmem>>[vector<16xi32>], vector<16xf32>,
        %gather3A_224 = tpu.vector_load_idx %arg6[%get3A_166] : memref<100096xf32, #tpu.memory_space<vmem>>[vector<16xi32>], vector<16xf32>,
        %gather3A_225 = tpu.vector_load_idx %arg6[%get3A_170] : memref<100096xf32, #tpu.memory_space<vmem>>[vector<16xi32>], vector<16xf32>,
        %gather3A_226 = tpu.vector_load_idx %arg6[%get3A_174] : memref<100096xf32, #tpu.memory_space<vmem>>[vector<16xi32>], vector<16xf32>,
        %gather3A_227 = tpu.vector_load_idx %arg6[%get3A_178] : memref<100096xf32, #tpu.memory_space<vmem>>[vector<16xi32>], vector<16xf32>,
        %mul3A_228 = arith.mulf %get3A_182, %gather3A : vector<16xf32>
        %add3A_229 = arith.constant 0 : i32
        %add3A_230 = arith.addi %mul3A_139, %add3A_229 : i32
        %swap3A = arith.index_cast %add3A_230 : i32 to index
        %swap3A_231 = tpu.vector_load %arg11[%swap3A] {strides = array<i32>} : memref<4000xf32, #tpu.memory_space<vmem>>, vector<16xf32>,
        tpu.vector_store %arg11[%swap3A], %mul3A_228 {strides = array<i32>} : memref<4000xf32, #tpu.memory_space<vmem>>, vector<16xf32>,
        %mul3A_232 = arith.mulf %get3A_186, %gather3A_219 : vector<16xf32>
        %add3A_233 = arith.constant 16 : i32
        %add3A_234 = arith.addi %mul3A_139, %add3A_233 : i32
        %swap3A_235 = arith.index_cast %add3A_234 : i32 to index
        %swap3A_236 = tpu.vector_load %arg11[%swap3A_235] {strides = array<i32>} : memref<4000xf32, #tpu.memory_space<vmem>>, vector<16xf32>,
        tpu.vector_store %arg11[%swap3A_235], %mul3A_232 {strides = array<i32>} : memref<4000xf32, #tpu.memory_space<vmem>>, vector<16xf32>,
        %mul3A_237 = arith.mulf %get3A_190, %gather3A_220 : vector<16xf32>
        %add3A_238 = arith.constant 32 : i32
        %add3A_239 = arith.addi %mul3A_139, %add3A_238 : i32
        %swap3A_240 = arith.index_cast %add3A_239 : i32 to index
        %swap3A_241 = tpu.vector_load %arg11[%swap3A_240] {strides = array<i32>} : memref<4000xf32, #tpu.memory_space<vmem>>, vector<16xf32>,
        tpu.vector_store %arg11[%swap3A_240], %mul3A_237 {strides = array<i32>} : memref<4000xf32, #tpu.memory_space<vmem>>, vector<16xf32>,
        %mul3A_242 = arith.mulf %get3A_194, %gather3A_221 : vector<16xf32>
        %add3A_243 = arith.constant 48 : i32
        %add3A_244 = arith.addi %mul3A_139, %add3A_243 : i32
        %swap3A_245 = arith.index_cast %add3A_244 : i32 to index
        %swap3A_246 = tpu.vector_load %arg11[%swap3A_245] {strides = array<i32>} : memref<4000xf32, #tpu.memory_space<vmem>>, vector<16xf32>,
        tpu.vector_store %arg11[%swap3A_245], %mul3A_242 {strides = array<i32>} : memref<4000xf32, #tpu.memory_space<vmem>>, vector<16xf32>,
        %mul3A_247 = arith.mulf %get3A_198, %gather3A_222 : vector<16xf32>
        %add3A_248 = arith.constant 64 : i32
        %add3A_249 = arith.addi %mul3A_139, %add3A_248 : i32
        %swap3A_250 = arith.index_cast %add3A_249 : i32 to index
        %swap3A_251 = tpu.vector_load %arg11[%swap3A_250] {strides = array<i32>} : memref<4000xf32, #tpu.memory_space<vmem>>, vector<16xf32>,
        tpu.vector_store %arg11[%swap3A_250], %mul3A_247 {strides = array<i32>} : memref<4000xf32, #tpu.memory_space<vmem>>, vector<16xf32>,
        %mul3A_252 = arith.mulf %get3A_202, %gather3A_223 : vector<16xf32>
        %add3A_253 = arith.constant 80 : i32
        %add3A_254 = arith.addi %mul3A_139, %add3A_253 : i32
        %swap3A_255 = arith.index_cast %add3A_254 : i32 to index
        %swap3A_256 = tpu.vector_load %arg11[%swap3A_255] {strides = array<i32>} : memref<4000xf32, #tpu.memory_space<vmem>>, vector<16xf32>,
        tpu.vector_store %arg11[%swap3A_255], %mul3A_252 {strides = array<i32>} : memref<4000xf32, #tpu.memory_space<vmem>>, vector<16xf32>,
        %mul3A_257 = arith.mulf %get3A_206, %gather3A_224 : vector<16xf32>
        %add3A_258 = arith.constant 96 : i32
        %add3A_259 = arith.addi %mul3A_139, %add3A_258 : i32
        %swap3A_260 = arith.index_cast %add3A_259 : i32 to index
        %swap3A_261 = tpu.vector_load %arg11[%swap3A_260] {strides = array<i32>} : memref<4000xf32, #tpu.memory_space<vmem>>, vector<16xf32>,
        tpu.vector_store %arg11[%swap3A_260], %mul3A_257 {strides = array<i32>} : memref<4000xf32, #tpu.memory_space<vmem>>, vector<16xf32>,
        %mul3A_262 = arith.mulf %get3A_210, %gather3A_225 : vector<16xf32>
        %add3A_263 = arith.constant 112 : i32
        %add3A_264 = arith.addi %mul3A_139, %add3A_263 : i32
        %swap3A_265 = arith.index_cast %add3A_264 : i32 to index
        %swap3A_266 = tpu.vector_load %arg11[%swap3A_265] {strides = array<i32>} : memref<4000xf32, #tpu.memory_space<vmem>>, vector<16xf32>,
        tpu.vector_store %arg11[%swap3A_265], %mul3A_262 {strides = array<i32>} : memref<4000xf32, #tpu.memory_space<vmem>>, vector<16xf32>,
        %mul3A_267 = arith.mulf %get3A_214, %gather3A_226 : vector<16xf32>
        %add3A_268 = arith.constant 128 : i32
        %add3A_269 = arith.addi %mul3A_139, %add3A_268 : i32
        %swap3A_270 = arith.index_cast %add3A_269 : i32 to index
        %swap3A_271 = tpu.vector_load %arg11[%swap3A_270] {strides = array<i32>} : memref<4000xf32, #tpu.memory_space<vmem>>, vector<16xf32>,
        tpu.vector_store %arg11[%swap3A_270], %mul3A_267 {strides = array<i32>} : memref<4000xf32, #tpu.memory_space<vmem>>, vector<16xf32>,
        %mul3A_272 = arith.mulf %get3A_218, %gather3A_227 : vector<16xf32>
        %add3A_273 = arith.constant 144 : i32
        %add3A_274 = arith.addi %mul3A_139, %add3A_273 : i32
        %swap3A_275 = arith.index_cast %add3A_274 : i32 to index
        %swap3A_276 = tpu.vector_load %arg11[%swap3A_275] {strides = array<i32>} : memref<4000xf32, #tpu.memory_space<vmem>>, vector<16xf32>,
        tpu.vector_store %arg11[%swap3A_275], %mul3A_272 {strides = array<i32>} : memref<4000xf32, #tpu.memory_space<vmem>>, vector<16xf32>,
      }
      %scan3A_72 = arith.constant 25 : i32
      %mul3A_73 = arith.constant 200000 : i32
      %mul3A_74 = arith.muli %add3A, %mul3A_73 : i32
      %mul3A_75 = arith.constant 4000 : i32
      %mul3A_76 = arith.muli %add3A_50, %mul3A_75 : i32
      %add3A_77 = arith.addi %mul3A_74, %mul3A_76 : i32
      %dma_start3A_78 = arith.constant 0 : i32
      %dma_start3A_79 = tpu.memref_slice %arg5[%add3A_77] : memref<6400000xf32, #tpu.memory_space<hbm>> -> memref<4000xf32, #tpu.memory_space<hbm>>
      %dma_start3A_80 = tpu.memref_slice %arg15[%dma_start3A_78] : memref<2x!tpu.dma_semaphore, #tpu.memory_space<semaphore_mem>> -> memref<1x!tpu.dma_semaphore, #tpu.memory_space<semaphore_mem>>
      %dma_start3A_81 = tpu.memref_squeeze %dma_start3A_80 : memref<1x!tpu.dma_semaphore, #tpu.memory_space<semaphore_mem>> -> memref<!tpu.dma_semaphore, #tpu.memory_space<semaphore_mem>>
      %dma_start3A_82 = tpu.memref_slice %arg5[%add3A_77] : memref<6400000xf32, #tpu.memory_space<hbm>> -> memref<4000xf32, #tpu.memory_space<hbm>>
      tpu.enqueue_dma source(%arg11 : memref<4000xf32, #tpu.memory_space<vmem>>) target(%dma_start3A_82 : memref<4000xf32, #tpu.memory_space<hbm>>) target_semaphore(%dma_start3A_81 : memref<!tpu.dma_semaphore, #tpu.memory_space<semaphore_mem>>)
      %add3A_83 = arith.constant 2 : i32
      %add3A_84 = arith.addi %add3A_50, %add3A_83 : i32
      %lt3A = arith.constant 50 : i32
      %lt3A_85 = arith.cmpi slt, %add3A_84, %lt3A : i32
      %convert_element_type3A_86 = arith.extui %lt3A_85 : i1 to i32
      %cond3A_87 = arith.constant 0 : i32
      %cond3A_88 = arith.cmpi ne, %convert_element_type3A_86, %cond3A_87 : i32
      scf.if %cond3A_88 {
        %add3A_135 = arith.constant 2 : i32
        %add3A_136 = arith.addi %add3A_50, %add3A_135 : i32
        %mul3A_137 = arith.constant 200000 : i32
        %mul3A_138 = arith.muli %add3A, %mul3A_137 : i32
        %mul3A_139 = arith.constant 4000 : i32
        %mul3A_140 = arith.muli %add3A_136, %mul3A_139 : i32
        %add3A_141 = arith.addi %mul3A_138, %mul3A_140 : i32
        %dma_start3A_142 = arith.constant 0 : i32
        %dma_start3A_143 = tpu.memref_slice %arg2[%add3A_141] : memref<6400000xi32, #tpu.memory_space<hbm>> -> memref<4000xi32, #tpu.memory_space<hbm>>
        %dma_start3A_144 = tpu.memref_slice %arg13[%dma_start3A_142] : memref<2x!tpu.dma_semaphore, #tpu.memory_space<semaphore_mem>> -> memref<1x!tpu.dma_semaphore, #tpu.memory_space<semaphore_mem>>
        %dma_start3A_145 = tpu.memref_squeeze %dma_start3A_144 : memref<1x!tpu.dma_semaphore, #tpu.memory_space<semaphore_mem>> -> memref<!tpu.dma_semaphore, #tpu.memory_space<semaphore_mem>>
        %dma_start3A_146 = tpu.memref_slice %arg2[%add3A_141] : memref<6400000xi32, #tpu.memory_space<hbm>> -> memref<4000xi32, #tpu.memory_space<hbm>>
        tpu.enqueue_dma source(%dma_start3A_146 : memref<4000xi32, #tpu.memory_space<hbm>>) target(%arg7 : memref<4000xi32, #tpu.memory_space<vmem>>) target_semaphore(%dma_start3A_145 : memref<!tpu.dma_semaphore, #tpu.memory_space<semaphore_mem>>)
        %dma_start3A_147 = arith.constant 0 : i32
        %dma_start3A_148 = tpu.memref_slice %arg3[%add3A_141] : memref<6400000xf32, #tpu.memory_space<hbm>> -> memref<4000xf32, #tpu.memory_space<hbm>>
        %dma_start3A_149 = tpu.memref_slice %arg14[%dma_start3A_147] : memref<2x!tpu.dma_semaphore, #tpu.memory_space<semaphore_mem>> -> memref<1x!tpu.dma_semaphore, #tpu.memory_space<semaphore_mem>>
        %dma_start3A_150 = tpu.memref_squeeze %dma_start3A_149 : memref<1x!tpu.dma_semaphore, #tpu.memory_space<semaphore_mem>> -> memref<!tpu.dma_semaphore, #tpu.memory_space<semaphore_mem>>
        %dma_start3A_151 = tpu.memref_slice %arg3[%add3A_141] : memref<6400000xf32, #tpu.memory_space<hbm>> -> memref<4000xf32, #tpu.memory_space<hbm>>
        tpu.enqueue_dma source(%dma_start3A_151 : memref<4000xf32, #tpu.memory_space<hbm>>) target(%arg9 : memref<4000xf32, #tpu.memory_space<vmem>>) target_semaphore(%dma_start3A_150 : memref<!tpu.dma_semaphore, #tpu.memory_space<semaphore_mem>>)
      } else {
      }
      %mul3A_89 = arith.constant 2 : i32
      %mul3A_90 = arith.muli %scan3A_46, %mul3A_89 : i32
      %add3A_91 = arith.constant 1 : i32
      %add3A_92 = arith.addi %mul3A_90, %add3A_91 : i32
      %dma_wait3A_93 = arith.constant 1 : i32
      %dma_wait3A_94 = arith.constant 0 : i32
      %dma_wait3A_95 = tpu.memref_slice %arg2[%dma_wait3A_94] : memref<6400000xi32, #tpu.memory_space<hbm>> -> memref<4000xi32, #tpu.memory_space<hbm>>
      %dma_wait3A_96 = tpu.memref_slice %arg13[%dma_wait3A_93] : memref<2x!tpu.dma_semaphore, #tpu.memory_space<semaphore_mem>> -> memref<1x!tpu.dma_semaphore, #tpu.memory_space<semaphore_mem>>
      %dma_wait3A_97 = tpu.memref_squeeze %dma_wait3A_96 : memref<1x!tpu.dma_semaphore, #tpu.memory_space<semaphore_mem>> -> memref<!tpu.dma_semaphore, #tpu.memory_space<semaphore_mem>>
      %dma_wait3A_98 = arith.constant 0 : i32
      %dma_wait3A_99 = tpu.memref_slice %arg2[%dma_wait3A_98] : memref<6400000xi32, #tpu.memory_space<hbm>> -> memref<4000xi32, #tpu.memory_space<hbm>>
      tpu.wait_dma2 semaphore(%dma_wait3A_97 : memref<!tpu.dma_semaphore, #tpu.memory_space<semaphore_mem>>) src(%dma_wait3A_99 : memref<4000xi32, #tpu.memory_space<hbm>>) dst(%arg8 : memref<4000xi32, #tpu.memory_space<vmem>>)
      %dma_wait3A_100 = arith.constant 1 : i32
      %dma_wait3A_101 = arith.constant 0 : i32
      %dma_wait3A_102 = tpu.memref_slice %arg3[%dma_wait3A_101] : memref<6400000xf32, #tpu.memory_space<hbm>> -> memref<4000xf32, #tpu.memory_space<hbm>>
      %dma_wait3A_103 = tpu.memref_slice %arg14[%dma_wait3A_100] : memref<2x!tpu.dma_semaphore, #tpu.memory_space<semaphore_mem>> -> memref<1x!tpu.dma_semaphore, #tpu.memory_space<semaphore_mem>>
      %dma_wait3A_104 = tpu.memref_squeeze %dma_wait3A_103 : memref<1x!tpu.dma_semaphore, #tpu.memory_space<semaphore_mem>> -> memref<!tpu.dma_semaphore, #tpu.memory_space<semaphore_mem>>
      %dma_wait3A_105 = arith.constant 0 : i32
      %dma_wait3A_106 = tpu.memref_slice %arg3[%dma_wait3A_105] : memref<6400000xf32, #tpu.memory_space<hbm>> -> memref<4000xf32, #tpu.memory_space<hbm>>
      tpu.wait_dma2 semaphore(%dma_wait3A_104 : memref<!tpu.dma_semaphore, #tpu.memory_space<semaphore_mem>>) src(%dma_wait3A_106 : memref<4000xf32, #tpu.memory_space<hbm>>) dst(%arg10 : memref<4000xf32, #tpu.memory_space<vmem>>)
      %ge3A_107 = arith.constant 2 : i32
      %ge3A_108 = arith.cmpi sge, %add3A_92, %ge3A_107 : i32
      %convert_element_type3A_109 = arith.extui %ge3A_108 : i1 to i32
      %cond3A_110 = arith.constant 0 : i32
      %cond3A_111 = arith.cmpi ne, %convert_element_type3A_109, %cond3A_110 : i32
      scf.if %cond3A_111 {
        %dma_wait3A_135 = arith.constant 1 : i32
        %dma_wait3A_136 = arith.constant 0 : i32
        %dma_wait3A_137 = tpu.memref_slice %arg5[%dma_wait3A_136] : memref<6400000xf32, #tpu.memory_space<hbm>> -> memref<4000xf32, #tpu.memory_space<hbm>>
        %dma_wait3A_138 = tpu.memref_slice %arg15[%dma_wait3A_135] : memref<2x!tpu.dma_semaphore, #tpu.memory_space<semaphore_mem>> -> memref<1x!tpu.dma_semaphore, #tpu.memory_space<semaphore_mem>>
        %dma_wait3A_139 = tpu.memref_squeeze %dma_wait3A_138 : memref<1x!tpu.dma_semaphore, #tpu.memory_space<semaphore_mem>> -> memref<!tpu.dma_semaphore, #tpu.memory_space<semaphore_mem>>
        %dma_wait3A_140 = arith.constant 0 : i32
        %dma_wait3A_141 = tpu.memref_slice %arg5[%dma_wait3A_140] : memref<6400000xf32, #tpu.memory_space<hbm>> -> memref<4000xf32, #tpu.memory_space<hbm>>
        tpu.wait_dma2 semaphore(%dma_wait3A_139 : memref<!tpu.dma_semaphore, #tpu.memory_space<semaphore_mem>>) src(%arg12 : memref<4000xf32, #tpu.memory_space<vmem>>) dst(%dma_wait3A_141 : memref<4000xf32, #tpu.memory_space<hbm>>)
      } else {
      }
      %scan3A_112 = arith.constant 0 : i32
      %scan3A_113 = arith.constant 0 : i32
      %scan3A_114 = arith.constant 25 : i32
      %scan3A_115 = arith.addi %scan3A_113, %scan3A_114 : i32
      %scan3A_116 = arith.constant 1 : i32
      scf.for %scan3A_135 = %scan3A_113 to %scan3A_115 step %scan3A_116  : i32 {
        %mul3A_136 = arith.constant 10 : i32
        %mul3A_137 = arith.muli %scan3A_135, %mul3A_136 : i32
        %mul3A_138 = arith.constant 16 : i32
        %mul3A_139 = arith.muli %mul3A_137, %mul3A_138 : i32
        %add3A_140 = arith.constant 0 : i32
        %add3A_141 = arith.addi %mul3A_139, %add3A_140 : i32
        %get3A = arith.index_cast %add3A_141 : i32 to index
        %get3A_142 = tpu.vector_load %arg8[%get3A] {strides = array<i32>} : memref<4000xi32, #tpu.memory_space<vmem>>, vector<16xi32>,
        %add3A_143 = arith.constant 16 : i32
        %add3A_144 = arith.addi %mul3A_139, %add3A_143 : i32
        %get3A_145 = arith.index_cast %add3A_144 : i32 to index
        %get3A_146 = tpu.vector_load %arg8[%get3A_145] {strides = array<i32>} : memref<4000xi32, #tpu.memory_space<vmem>>, vector<16xi32>,
        %add3A_147 = arith.constant 32 : i32
        %add3A_148 = arith.addi %mul3A_139, %add3A_147 : i32
        %get3A_149 = arith.index_cast %add3A_148 : i32 to index
        %get3A_150 = tpu.vector_load %arg8[%get3A_149] {strides = array<i32>} : memref<4000xi32, #tpu.memory_space<vmem>>, vector<16xi32>,
        %add3A_151 = arith.constant 48 : i32
        %add3A_152 = arith.addi %mul3A_139, %add3A_151 : i32
        %get3A_153 = arith.index_cast %add3A_152 : i32 to index
        %get3A_154 = tpu.vector_load %arg8[%get3A_153] {strides = array<i32>} : memref<4000xi32, #tpu.memory_space<vmem>>, vector<16xi32>,
        %add3A_155 = arith.constant 64 : i32
        %add3A_156 = arith.addi %mul3A_139, %add3A_155 : i32
        %get3A_157 = arith.index_cast %add3A_156 : i32 to index
        %get3A_158 = tpu.vector_load %arg8[%get3A_157] {strides = array<i32>} : memref<4000xi32, #tpu.memory_space<vmem>>, vector<16xi32>,
        %add3A_159 = arith.constant 80 : i32
        %add3A_160 = arith.addi %mul3A_139, %add3A_159 : i32
        %get3A_161 = arith.index_cast %add3A_160 : i32 to index
        %get3A_162 = tpu.vector_load %arg8[%get3A_161] {strides = array<i32>} : memref<4000xi32, #tpu.memory_space<vmem>>, vector<16xi32>,
        %add3A_163 = arith.constant 96 : i32
        %add3A_164 = arith.addi %mul3A_139, %add3A_163 : i32
        %get3A_165 = arith.index_cast %add3A_164 : i32 to index
        %get3A_166 = tpu.vector_load %arg8[%get3A_165] {strides = array<i32>} : memref<4000xi32, #tpu.memory_space<vmem>>, vector<16xi32>,
        %add3A_167 = arith.constant 112 : i32
        %add3A_168 = arith.addi %mul3A_139, %add3A_167 : i32
        %get3A_169 = arith.index_cast %add3A_168 : i32 to index
        %get3A_170 = tpu.vector_load %arg8[%get3A_169] {strides = array<i32>} : memref<4000xi32, #tpu.memory_space<vmem>>, vector<16xi32>,
        %add3A_171 = arith.constant 128 : i32
        %add3A_172 = arith.addi %mul3A_139, %add3A_171 : i32
        %get3A_173 = arith.index_cast %add3A_172 : i32 to index
        %get3A_174 = tpu.vector_load %arg8[%get3A_173] {strides = array<i32>} : memref<4000xi32, #tpu.memory_space<vmem>>, vector<16xi32>,
        %add3A_175 = arith.constant 144 : i32
        %add3A_176 = arith.addi %mul3A_139, %add3A_175 : i32
        %get3A_177 = arith.index_cast %add3A_176 : i32 to index
        %get3A_178 = tpu.vector_load %arg8[%get3A_177] {strides = array<i32>} : memref<4000xi32, #tpu.memory_space<vmem>>, vector<16xi32>,
        %add3A_179 = arith.constant 0 : i32
        %add3A_180 = arith.addi %mul3A_139, %add3A_179 : i32
        %get3A_181 = arith.index_cast %add3A_180 : i32 to index
        %get3A_182 = tpu.vector_load %arg10[%get3A_181] {strides = array<i32>} : memref<4000xf32, #tpu.memory_space<vmem>>, vector<16xf32>,
        %add3A_183 = arith.constant 16 : i32
        %add3A_184 = arith.addi %mul3A_139, %add3A_183 : i32
        %get3A_185 = arith.index_cast %add3A_184 : i32 to index
        %get3A_186 = tpu.vector_load %arg10[%get3A_185] {strides = array<i32>} : memref<4000xf32, #tpu.memory_space<vmem>>, vector<16xf32>,
        %add3A_187 = arith.constant 32 : i32
        %add3A_188 = arith.addi %mul3A_139, %add3A_187 : i32
        %get3A_189 = arith.index_cast %add3A_188 : i32 to index
        %get3A_190 = tpu.vector_load %arg10[%get3A_189] {strides = array<i32>} : memref<4000xf32, #tpu.memory_space<vmem>>, vector<16xf32>,
        %add3A_191 = arith.constant 48 : i32
        %add3A_192 = arith.addi %mul3A_139, %add3A_191 : i32
        %get3A_193 = arith.index_cast %add3A_192 : i32 to index
        %get3A_194 = tpu.vector_load %arg10[%get3A_193] {strides = array<i32>} : memref<4000xf32, #tpu.memory_space<vmem>>, vector<16xf32>,
        %add3A_195 = arith.constant 64 : i32
        %add3A_196 = arith.addi %mul3A_139, %add3A_195 : i32
        %get3A_197 = arith.index_cast %add3A_196 : i32 to index
        %get3A_198 = tpu.vector_load %arg10[%get3A_197] {strides = array<i32>} : memref<4000xf32, #tpu.memory_space<vmem>>, vector<16xf32>,
        %add3A_199 = arith.constant 80 : i32
        %add3A_200 = arith.addi %mul3A_139, %add3A_199 : i32
        %get3A_201 = arith.index_cast %add3A_200 : i32 to index
        %get3A_202 = tpu.vector_load %arg10[%get3A_201] {strides = array<i32>} : memref<4000xf32, #tpu.memory_space<vmem>>, vector<16xf32>,
        %add3A_203 = arith.constant 96 : i32
        %add3A_204 = arith.addi %mul3A_139, %add3A_203 : i32
        %get3A_205 = arith.index_cast %add3A_204 : i32 to index
        %get3A_206 = tpu.vector_load %arg10[%get3A_205] {strides = array<i32>} : memref<4000xf32, #tpu.memory_space<vmem>>, vector<16xf32>,
        %add3A_207 = arith.constant 112 : i32
        %add3A_208 = arith.addi %mul3A_139, %add3A_207 : i32
        %get3A_209 = arith.index_cast %add3A_208 : i32 to index
        %get3A_210 = tpu.vector_load %arg10[%get3A_209] {strides = array<i32>} : memref<4000xf32, #tpu.memory_space<vmem>>, vector<16xf32>,
        %add3A_211 = arith.constant 128 : i32
        %add3A_212 = arith.addi %mul3A_139, %add3A_211 : i32
        %get3A_213 = arith.index_cast %add3A_212 : i32 to index
        %get3A_214 = tpu.vector_load %arg10[%get3A_213] {strides = array<i32>} : memref<4000xf32, #tpu.memory_space<vmem>>, vector<16xf32>,
        %add3A_215 = arith.constant 144 : i32
        %add3A_216 = arith.addi %mul3A_139, %add3A_215 : i32
        %get3A_217 = arith.index_cast %add3A_216 : i32 to index
        %get3A_218 = tpu.vector_load %arg10[%get3A_217] {strides = array<i32>} : memref<4000xf32, #tpu.memory_space<vmem>>, vector<16xf32>,
        %gather3A = tpu.vector_load_idx %arg6[%get3A_142] : memref<100096xf32, #tpu.memory_space<vmem>>[vector<16xi32>], vector<16xf32>,
        %gather3A_219 = tpu.vector_load_idx %arg6[%get3A_146] : memref<100096xf32, #tpu.memory_space<vmem>>[vector<16xi32>], vector<16xf32>,
        %gather3A_220 = tpu.vector_load_idx %arg6[%get3A_150] : memref<100096xf32, #tpu.memory_space<vmem>>[vector<16xi32>], vector<16xf32>,
        %gather3A_221 = tpu.vector_load_idx %arg6[%get3A_154] : memref<100096xf32, #tpu.memory_space<vmem>>[vector<16xi32>], vector<16xf32>,
        %gather3A_222 = tpu.vector_load_idx %arg6[%get3A_158] : memref<100096xf32, #tpu.memory_space<vmem>>[vector<16xi32>], vector<16xf32>,
        %gather3A_223 = tpu.vector_load_idx %arg6[%get3A_162] : memref<100096xf32, #tpu.memory_space<vmem>>[vector<16xi32>], vector<16xf32>,
        %gather3A_224 = tpu.vector_load_idx %arg6[%get3A_166] : memref<100096xf32, #tpu.memory_space<vmem>>[vector<16xi32>], vector<16xf32>,
        %gather3A_225 = tpu.vector_load_idx %arg6[%get3A_170] : memref<100096xf32, #tpu.memory_space<vmem>>[vector<16xi32>], vector<16xf32>,
        %gather3A_226 = tpu.vector_load_idx %arg6[%get3A_174] : memref<100096xf32, #tpu.memory_space<vmem>>[vector<16xi32>], vector<16xf32>,
        %gather3A_227 = tpu.vector_load_idx %arg6[%get3A_178] : memref<100096xf32, #tpu.memory_space<vmem>>[vector<16xi32>], vector<16xf32>,
        %mul3A_228 = arith.mulf %get3A_182, %gather3A : vector<16xf32>
        %add3A_229 = arith.constant 0 : i32
        %add3A_230 = arith.addi %mul3A_139, %add3A_229 : i32
        %swap3A = arith.index_cast %add3A_230 : i32 to index
        %swap3A_231 = tpu.vector_load %arg12[%swap3A] {strides = array<i32>} : memref<4000xf32, #tpu.memory_space<vmem>>, vector<16xf32>,
        tpu.vector_store %arg12[%swap3A], %mul3A_228 {strides = array<i32>} : memref<4000xf32, #tpu.memory_space<vmem>>, vector<16xf32>,
        %mul3A_232 = arith.mulf %get3A_186, %gather3A_219 : vector<16xf32>
        %add3A_233 = arith.constant 16 : i32
        %add3A_234 = arith.addi %mul3A_139, %add3A_233 : i32
        %swap3A_235 = arith.index_cast %add3A_234 : i32 to index
        %swap3A_236 = tpu.vector_load %arg12[%swap3A_235] {strides = array<i32>} : memref<4000xf32, #tpu.memory_space<vmem>>, vector<16xf32>,
        tpu.vector_store %arg12[%swap3A_235], %mul3A_232 {strides = array<i32>} : memref<4000xf32, #tpu.memory_space<vmem>>, vector<16xf32>,
        %mul3A_237 = arith.mulf %get3A_190, %gather3A_220 : vector<16xf32>
        %add3A_238 = arith.constant 32 : i32
        %add3A_239 = arith.addi %mul3A_139, %add3A_238 : i32
        %swap3A_240 = arith.index_cast %add3A_239 : i32 to index
        %swap3A_241 = tpu.vector_load %arg12[%swap3A_240] {strides = array<i32>} : memref<4000xf32, #tpu.memory_space<vmem>>, vector<16xf32>,
        tpu.vector_store %arg12[%swap3A_240], %mul3A_237 {strides = array<i32>} : memref<4000xf32, #tpu.memory_space<vmem>>, vector<16xf32>,
        %mul3A_242 = arith.mulf %get3A_194, %gather3A_221 : vector<16xf32>
        %add3A_243 = arith.constant 48 : i32
        %add3A_244 = arith.addi %mul3A_139, %add3A_243 : i32
        %swap3A_245 = arith.index_cast %add3A_244 : i32 to index
        %swap3A_246 = tpu.vector_load %arg12[%swap3A_245] {strides = array<i32>} : memref<4000xf32, #tpu.memory_space<vmem>>, vector<16xf32>,
        tpu.vector_store %arg12[%swap3A_245], %mul3A_242 {strides = array<i32>} : memref<4000xf32, #tpu.memory_space<vmem>>, vector<16xf32>,
        %mul3A_247 = arith.mulf %get3A_198, %gather3A_222 : vector<16xf32>
        %add3A_248 = arith.constant 64 : i32
        %add3A_249 = arith.addi %mul3A_139, %add3A_248 : i32
        %swap3A_250 = arith.index_cast %add3A_249 : i32 to index
        %swap3A_251 = tpu.vector_load %arg12[%swap3A_250] {strides = array<i32>} : memref<4000xf32, #tpu.memory_space<vmem>>, vector<16xf32>,
        tpu.vector_store %arg12[%swap3A_250], %mul3A_247 {strides = array<i32>} : memref<4000xf32, #tpu.memory_space<vmem>>, vector<16xf32>,
        %mul3A_252 = arith.mulf %get3A_202, %gather3A_223 : vector<16xf32>
        %add3A_253 = arith.constant 80 : i32
        %add3A_254 = arith.addi %mul3A_139, %add3A_253 : i32
        %swap3A_255 = arith.index_cast %add3A_254 : i32 to index
        %swap3A_256 = tpu.vector_load %arg12[%swap3A_255] {strides = array<i32>} : memref<4000xf32, #tpu.memory_space<vmem>>, vector<16xf32>,
        tpu.vector_store %arg12[%swap3A_255], %mul3A_252 {strides = array<i32>} : memref<4000xf32, #tpu.memory_space<vmem>>, vector<16xf32>,
        %mul3A_257 = arith.mulf %get3A_206, %gather3A_224 : vector<16xf32>
        %add3A_258 = arith.constant 96 : i32
        %add3A_259 = arith.addi %mul3A_139, %add3A_258 : i32
        %swap3A_260 = arith.index_cast %add3A_259 : i32 to index
        %swap3A_261 = tpu.vector_load %arg12[%swap3A_260] {strides = array<i32>} : memref<4000xf32, #tpu.memory_space<vmem>>, vector<16xf32>,
        tpu.vector_store %arg12[%swap3A_260], %mul3A_257 {strides = array<i32>} : memref<4000xf32, #tpu.memory_space<vmem>>, vector<16xf32>,
        %mul3A_262 = arith.mulf %get3A_210, %gather3A_225 : vector<16xf32>
        %add3A_263 = arith.constant 112 : i32
        %add3A_264 = arith.addi %mul3A_139, %add3A_263 : i32
        %swap3A_265 = arith.index_cast %add3A_264 : i32 to index
        %swap3A_266 = tpu.vector_load %arg12[%swap3A_265] {strides = array<i32>} : memref<4000xf32, #tpu.memory_space<vmem>>, vector<16xf32>,
        tpu.vector_store %arg12[%swap3A_265], %mul3A_262 {strides = array<i32>} : memref<4000xf32, #tpu.memory_space<vmem>>, vector<16xf32>,
        %mul3A_267 = arith.mulf %get3A_214, %gather3A_226 : vector<16xf32>
        %add3A_268 = arith.constant 128 : i32
        %add3A_269 = arith.addi %mul3A_139, %add3A_268 : i32
        %swap3A_270 = arith.index_cast %add3A_269 : i32 to index
        %swap3A_271 = tpu.vector_load %arg12[%swap3A_270] {strides = array<i32>} : memref<4000xf32, #tpu.memory_space<vmem>>, vector<16xf32>,
        tpu.vector_store %arg12[%swap3A_270], %mul3A_267 {strides = array<i32>} : memref<4000xf32, #tpu.memory_space<vmem>>, vector<16xf32>,
        %mul3A_272 = arith.mulf %get3A_218, %gather3A_227 : vector<16xf32>
        %add3A_273 = arith.constant 144 : i32
        %add3A_274 = arith.addi %mul3A_139, %add3A_273 : i32
        %swap3A_275 = arith.index_cast %add3A_274 : i32 to index
        %swap3A_276 = tpu.vector_load %arg12[%swap3A_275] {strides = array<i32>} : memref<4000xf32, #tpu.memory_space<vmem>>, vector<16xf32>,
        tpu.vector_store %arg12[%swap3A_275], %mul3A_272 {strides = array<i32>} : memref<4000xf32, #tpu.memory_space<vmem>>, vector<16xf32>,
      }
      %scan3A_117 = arith.constant 25 : i32
      %mul3A_118 = arith.constant 200000 : i32
      %mul3A_119 = arith.muli %add3A, %mul3A_118 : i32
      %mul3A_120 = arith.constant 4000 : i32
      %mul3A_121 = arith.muli %add3A_92, %mul3A_120 : i32
      %add3A_122 = arith.addi %mul3A_119, %mul3A_121 : i32
      %dma_start3A_123 = arith.constant 1 : i32
      %dma_start3A_124 = tpu.memref_slice %arg5[%add3A_122] : memref<6400000xf32, #tpu.memory_space<hbm>> -> memref<4000xf32, #tpu.memory_space<hbm>>
      %dma_start3A_125 = tpu.memref_slice %arg15[%dma_start3A_123] : memref<2x!tpu.dma_semaphore, #tpu.memory_space<semaphore_mem>> -> memref<1x!tpu.dma_semaphore, #tpu.memory_space<semaphore_mem>>
      %dma_start3A_126 = tpu.memref_squeeze %dma_start3A_125 : memref<1x!tpu.dma_semaphore, #tpu.memory_space<semaphore_mem>> -> memref<!tpu.dma_semaphore, #tpu.memory_space<semaphore_mem>>
      %dma_start3A_127 = tpu.memref_slice %arg5[%add3A_122] : memref<6400000xf32, #tpu.memory_space<hbm>> -> memref<4000xf32, #tpu.memory_space<hbm>>
      tpu.enqueue_dma source(%arg12 : memref<4000xf32, #tpu.memory_space<vmem>>) target(%dma_start3A_127 : memref<4000xf32, #tpu.memory_space<hbm>>) target_semaphore(%dma_start3A_126 : memref<!tpu.dma_semaphore, #tpu.memory_space<semaphore_mem>>)
      %add3A_128 = arith.constant 2 : i32
      %add3A_129 = arith.addi %add3A_92, %add3A_128 : i32
      %lt3A_130 = arith.constant 50 : i32
      %lt3A_131 = arith.cmpi slt, %add3A_129, %lt3A_130 : i32
      %convert_element_type3A_132 = arith.extui %lt3A_131 : i1 to i32
      %cond3A_133 = arith.constant 0 : i32
      %cond3A_134 = arith.cmpi ne, %convert_element_type3A_132, %cond3A_133 : i32
      scf.if %cond3A_134 {
        %add3A_135 = arith.constant 2 : i32
        %add3A_136 = arith.addi %add3A_92, %add3A_135 : i32
        %mul3A_137 = arith.constant 200000 : i32
        %mul3A_138 = arith.muli %add3A, %mul3A_137 : i32
        %mul3A_139 = arith.constant 4000 : i32
        %mul3A_140 = arith.muli %add3A_136, %mul3A_139 : i32
        %add3A_141 = arith.addi %mul3A_138, %mul3A_140 : i32
        %dma_start3A_142 = arith.constant 1 : i32
        %dma_start3A_143 = tpu.memref_slice %arg2[%add3A_141] : memref<6400000xi32, #tpu.memory_space<hbm>> -> memref<4000xi32, #tpu.memory_space<hbm>>
        %dma_start3A_144 = tpu.memref_slice %arg13[%dma_start3A_142] : memref<2x!tpu.dma_semaphore, #tpu.memory_space<semaphore_mem>> -> memref<1x!tpu.dma_semaphore, #tpu.memory_space<semaphore_mem>>
        %dma_start3A_145 = tpu.memref_squeeze %dma_start3A_144 : memref<1x!tpu.dma_semaphore, #tpu.memory_space<semaphore_mem>> -> memref<!tpu.dma_semaphore, #tpu.memory_space<semaphore_mem>>
        %dma_start3A_146 = tpu.memref_slice %arg2[%add3A_141] : memref<6400000xi32, #tpu.memory_space<hbm>> -> memref<4000xi32, #tpu.memory_space<hbm>>
        tpu.enqueue_dma source(%dma_start3A_146 : memref<4000xi32, #tpu.memory_space<hbm>>) target(%arg8 : memref<4000xi32, #tpu.memory_space<vmem>>) target_semaphore(%dma_start3A_145 : memref<!tpu.dma_semaphore, #tpu.memory_space<semaphore_mem>>)
        %dma_start3A_147 = arith.constant 1 : i32
        %dma_start3A_148 = tpu.memref_slice %arg3[%add3A_141] : memref<6400000xf32, #tpu.memory_space<hbm>> -> memref<4000xf32, #tpu.memory_space<hbm>>
        %dma_start3A_149 = tpu.memref_slice %arg14[%dma_start3A_147] : memref<2x!tpu.dma_semaphore, #tpu.memory_space<semaphore_mem>> -> memref<1x!tpu.dma_semaphore, #tpu.memory_space<semaphore_mem>>
        %dma_start3A_150 = tpu.memref_squeeze %dma_start3A_149 : memref<1x!tpu.dma_semaphore, #tpu.memory_space<semaphore_mem>> -> memref<!tpu.dma_semaphore, #tpu.memory_space<semaphore_mem>>
        %dma_start3A_151 = tpu.memref_slice %arg3[%add3A_141] : memref<6400000xf32, #tpu.memory_space<hbm>> -> memref<4000xf32, #tpu.memory_space<hbm>>
        tpu.enqueue_dma source(%dma_start3A_151 : memref<4000xf32, #tpu.memory_space<hbm>>) target(%arg10 : memref<4000xf32, #tpu.memory_space<vmem>>) target_semaphore(%dma_start3A_150 : memref<!tpu.dma_semaphore, #tpu.memory_space<semaphore_mem>>)
      } else {
      }
    }
    %scan3A_32 = arith.constant 25 : i32
    %dma_wait3A = arith.constant 0 : i32
    %dma_wait3A_33 = arith.constant 0 : i32
    %dma_wait3A_34 = tpu.memref_slice %arg5[%dma_wait3A_33] : memref<6400000xf32, #tpu.memory_space<hbm>> -> memref<4000xf32, #tpu.memory_space<hbm>>
    %dma_wait3A_35 = tpu.memref_slice %arg15[%dma_wait3A] : memref<2x!tpu.dma_semaphore, #tpu.memory_space<semaphore_mem>> -> memref<1x!tpu.dma_semaphore, #tpu.memory_space<semaphore_mem>>
    %dma_wait3A_36 = tpu.memref_squeeze %dma_wait3A_35 : memref<1x!tpu.dma_semaphore, #tpu.memory_space<semaphore_mem>> -> memref<!tpu.dma_semaphore, #tpu.memory_space<semaphore_mem>>
    %dma_wait3A_37 = arith.constant 0 : i32
    %dma_wait3A_38 = tpu.memref_slice %arg5[%dma_wait3A_37] : memref<6400000xf32, #tpu.memory_space<hbm>> -> memref<4000xf32, #tpu.memory_space<hbm>>
    tpu.wait_dma2 semaphore(%dma_wait3A_36 : memref<!tpu.dma_semaphore, #tpu.memory_space<semaphore_mem>>) src(%arg11 : memref<4000xf32, #tpu.memory_space<vmem>>) dst(%dma_wait3A_38 : memref<4000xf32, #tpu.memory_space<hbm>>)
    %dma_wait3A_39 = arith.constant 1 : i32
    %dma_wait3A_40 = arith.constant 0 : i32
    %dma_wait3A_41 = tpu.memref_slice %arg5[%dma_wait3A_40] : memref<6400000xf32, #tpu.memory_space<hbm>> -> memref<4000xf32, #tpu.memory_space<hbm>>
    %dma_wait3A_42 = tpu.memref_slice %arg15[%dma_wait3A_39] : memref<2x!tpu.dma_semaphore, #tpu.memory_space<semaphore_mem>> -> memref<1x!tpu.dma_semaphore, #tpu.memory_space<semaphore_mem>>
    %dma_wait3A_43 = tpu.memref_squeeze %dma_wait3A_42 : memref<1x!tpu.dma_semaphore, #tpu.memory_space<semaphore_mem>> -> memref<!tpu.dma_semaphore, #tpu.memory_space<semaphore_mem>>
    %dma_wait3A_44 = arith.constant 0 : i32
    %dma_wait3A_45 = tpu.memref_slice %arg5[%dma_wait3A_44] : memref<6400000xf32, #tpu.memory_space<hbm>> -> memref<4000xf32, #tpu.memory_space<hbm>>
    tpu.wait_dma2 semaphore(%dma_wait3A_43 : memref<!tpu.dma_semaphore, #tpu.memory_space<semaphore_mem>>) src(%arg12 : memref<4000xf32, #tpu.memory_space<vmem>>) dst(%dma_wait3A_45 : memref<4000xf32, #tpu.memory_space<hbm>>)
    return
  }
}

#map = affine_map<(d0, d1) -> (0)>
module attributes {stable_mosaic.version = 14 : i64} {
  func.func @_segment_sum(%arg0: i32, %arg1: i32, %arg2: memref<6400000xi32, #tpu.memory_space<hbm>>, %arg3: memref<6400000xf32, #tpu.memory_space<hbm>>, %arg4: memref<3203072xf32, #tpu.memory_space<hbm>>, %arg5: memref<6400000xf32, #tpu.memory_space<hbm>>, %arg6: memref<100096xf32, #tpu.memory_space<vmem>>, %arg7: memref<4000xi32, #tpu.memory_space<vmem>>, %arg8: memref<4000xi32, #tpu.memory_space<vmem>>, %arg9: memref<4000xf32, #tpu.memory_space<vmem>>, %arg10: memref<4000xf32, #tpu.memory_space<vmem>>, %arg11: memref<4000xf32, #tpu.memory_space<vmem>>, %arg12: memref<4000xf32, #tpu.memory_space<vmem>>, %arg13: memref<2x!tpu.dma_semaphore, #tpu.memory_space<semaphore_mem>>, %arg14: memref<2x!tpu.dma_semaphore, #tpu.memory_space<semaphore_mem>>, %arg15: memref<2x!tpu.dma_semaphore, #tpu.memory_space<semaphore_mem>>) attributes {dimension_semantics = [#tpu.dimension_semantics<core_parallel>, #tpu.dimension_semantics<subcore_parallel>], iteration_bounds = array<i64: 2, 16>, scalar_prefetch = 0 : i64, scratch_operands = 10 : i64, tpu.core_type = #tpu.core_type<sc_vector_subcore>, window_params = [{transform_indices = #map}, {transform_indices = #map}, {transform_indices = #map}, {transform_indices = #map}]} {
    %mul3A = arith.constant 16 : i32
    %mul3A_0 = arith.muli %arg0, %mul3A : i32
    %add3A = arith.addi %mul3A_0, %arg1 : i32
    %mul3A_1 = arith.constant 200000 : i32
    %mul3A_2 = arith.muli %add3A, %mul3A_1 : i32
    %add3A_3 = arith.constant 0 : i32
    %add3A_4 = arith.addi %mul3A_2, %add3A_3 : i32
    %dma_start3A = arith.constant 0 : i32
    %dma_start3A_5 = tpu.memref_slice %arg2[%add3A_4] : memref<6400000xi32, #tpu.memory_space<hbm>> -> memref<4000xi32, #tpu.memory_space<hbm>>
    %dma_start3A_6 = tpu.memref_slice %arg13[%dma_start3A] : memref<2x!tpu.dma_semaphore, #tpu.memory_space<semaphore_mem>> -> memref<1x!tpu.dma_semaphore, #tpu.memory_space<semaphore_mem>>
    %dma_start3A_7 = tpu.memref_squeeze %dma_start3A_6 : memref<1x!tpu.dma_semaphore, #tpu.memory_space<semaphore_mem>> -> memref<!tpu.dma_semaphore, #tpu.memory_space<semaphore_mem>>
    %dma_start3A_8 = tpu.memref_slice %arg2[%add3A_4] : memref<6400000xi32, #tpu.memory_space<hbm>> -> memref<4000xi32, #tpu.memory_space<hbm>>
    tpu.enqueue_dma source(%dma_start3A_8 : memref<4000xi32, #tpu.memory_space<hbm>>) target(%arg7 : memref<4000xi32, #tpu.memory_space<vmem>>) target_semaphore(%dma_start3A_7 : memref<!tpu.dma_semaphore, #tpu.memory_space<semaphore_mem>>)
    %dma_start3A_9 = arith.constant 0 : i32
    %dma_start3A_10 = tpu.memref_slice %arg3[%add3A_4] : memref<6400000xf32, #tpu.memory_space<hbm>> -> memref<4000xf32, #tpu.memory_space<hbm>>
    %dma_start3A_11 = tpu.memref_slice %arg14[%dma_start3A_9] : memref<2x!tpu.dma_semaphore, #tpu.memory_space<semaphore_mem>> -> memref<1x!tpu.dma_semaphore, #tpu.memory_space<semaphore_mem>>
    %dma_start3A_12 = tpu.memref_squeeze %dma_start3A_11 : memref<1x!tpu.dma_semaphore, #tpu.memory_space<semaphore_mem>> -> memref<!tpu.dma_semaphore, #tpu.memory_space<semaphore_mem>>
    %dma_start3A_13 = tpu.memref_slice %arg3[%add3A_4] : memref<6400000xf32, #tpu.memory_space<hbm>> -> memref<4000xf32, #tpu.memory_space<hbm>>
    tpu.enqueue_dma source(%dma_start3A_13 : memref<4000xf32, #tpu.memory_space<hbm>>) target(%arg9 : memref<4000xf32, #tpu.memory_space<vmem>>) target_semaphore(%dma_start3A_12 : memref<!tpu.dma_semaphore, #tpu.memory_space<semaphore_mem>>)
    %mul3A_14 = arith.constant 200000 : i32
    %mul3A_15 = arith.muli %add3A, %mul3A_14 : i32
    %add3A_16 = arith.constant 4000 : i32
    %add3A_17 = arith.addi %mul3A_15, %add3A_16 : i32
    %dma_start3A_18 = arith.constant 1 : i32
    %dma_start3A_19 = tpu.memref_slice %arg2[%add3A_17] : memref<6400000xi32, #tpu.memory_space<hbm>> -> memref<4000xi32, #tpu.memory_space<hbm>>
    %dma_start3A_20 = tpu.memref_slice %arg13[%dma_start3A_18] : memref<2x!tpu.dma_semaphore, #tpu.memory_space<semaphore_mem>> -> memref<1x!tpu.dma_semaphore, #tpu.memory_space<semaphore_mem>>
    %dma_start3A_21 = tpu.memref_squeeze %dma_start3A_20 : memref<1x!tpu.dma_semaphore, #tpu.memory_space<semaphore_mem>> -> memref<!tpu.dma_semaphore, #tpu.memory_space<semaphore_mem>>
    %dma_start3A_22 = tpu.memref_slice %arg2[%add3A_17] : memref<6400000xi32, #tpu.memory_space<hbm>> -> memref<4000xi32, #tpu.memory_space<hbm>>
    tpu.enqueue_dma source(%dma_start3A_22 : memref<4000xi32, #tpu.memory_space<hbm>>) target(%arg8 : memref<4000xi32, #tpu.memory_space<vmem>>) target_semaphore(%dma_start3A_21 : memref<!tpu.dma_semaphore, #tpu.memory_space<semaphore_mem>>)
    %dma_start3A_23 = arith.constant 1 : i32
    %dma_start3A_24 = tpu.memref_slice %arg3[%add3A_17] : memref<6400000xf32, #tpu.memory_space<hbm>> -> memref<4000xf32, #tpu.memory_space<hbm>>
    %dma_start3A_25 = tpu.memref_slice %arg14[%dma_start3A_23] : memref<2x!tpu.dma_semaphore, #tpu.memory_space<semaphore_mem>> -> memref<1x!tpu.dma_semaphore, #tpu.memory_space<semaphore_mem>>
    %dma_start3A_26 = tpu.memref_squeeze %dma_start3A_25 : memref<1x!tpu.dma_semaphore, #tpu.memory_space<semaphore_mem>> -> memref<!tpu.dma_semaphore, #tpu.memory_space<semaphore_mem>>
    %dma_start3A_27 = tpu.memref_slice %arg3[%add3A_17] : memref<6400000xf32, #tpu.memory_space<hbm>> -> memref<4000xf32, #tpu.memory_space<hbm>>
    tpu.enqueue_dma source(%dma_start3A_27 : memref<4000xf32, #tpu.memory_space<hbm>>) target(%arg10 : memref<4000xf32, #tpu.memory_space<vmem>>) target_semaphore(%dma_start3A_26 : memref<!tpu.dma_semaphore, #tpu.memory_space<semaphore_mem>>)
    %broadcast_in_dim3A = arith.constant 0.000000e+00 : f32
    %broadcast_in_dim3A_28 = vector.broadcast %broadcast_in_dim3A : f32 to vector<16xf32>
    %scan3A = arith.constant 0 : i32
    %scan3A_29 = arith.constant 0 : i32
    %scan3A_30 = arith.constant 782 : i32
    %scan3A_31 = arith.addi %scan3A_29, %scan3A_30 : i32
    %scan3A_32 = arith.constant 1 : i32
    scf.for %scan3A_55 = %scan3A_29 to %scan3A_31 step %scan3A_32  : i32 {
      %mul3A_56 = arith.constant 128 : i32
      %mul3A_57 = arith.muli %scan3A_55, %mul3A_56 : i32
      %add3A_58 = arith.constant 0 : i32
      %add3A_59 = arith.addi %mul3A_57, %add3A_58 : i32
      %swap3A = arith.index_cast %add3A_59 : i32 to index
      %swap3A_60 = tpu.vector_load %arg6[%swap3A] {strides = array<i32>} : memref<100096xf32, #tpu.memory_space<vmem>>, vector<16xf32>,
      tpu.vector_store %arg6[%swap3A], %broadcast_in_dim3A_28 {strides = array<i32>} : memref<100096xf32, #tpu.memory_space<vmem>>, vector<16xf32>,
      %mul3A_61 = arith.constant 128 : i32
      %mul3A_62 = arith.muli %scan3A_55, %mul3A_61 : i32
      %add3A_63 = arith.constant 16 : i32
      %add3A_64 = arith.addi %mul3A_62, %add3A_63 : i32
      %swap3A_65 = arith.index_cast %add3A_64 : i32 to index
      %swap3A_66 = tpu.vector_load %arg6[%swap3A_65] {strides = array<i32>} : memref<100096xf32, #tpu.memory_space<vmem>>, vector<16xf32>,
      tpu.vector_store %arg6[%swap3A_65], %broadcast_in_dim3A_28 {strides = array<i32>} : memref<100096xf32, #tpu.memory_space<vmem>>, vector<16xf32>,
      %mul3A_67 = arith.constant 128 : i32
      %mul3A_68 = arith.muli %scan3A_55, %mul3A_67 : i32
      %add3A_69 = arith.constant 32 : i32
      %add3A_70 = arith.addi %mul3A_68, %add3A_69 : i32
      %swap3A_71 = arith.index_cast %add3A_70 : i32 to index
      %swap3A_72 = tpu.vector_load %arg6[%swap3A_71] {strides = array<i32>} : memref<100096xf32, #tpu.memory_space<vmem>>, vector<16xf32>,
      tpu.vector_store %arg6[%swap3A_71], %broadcast_in_dim3A_28 {strides = array<i32>} : memref<100096xf32, #tpu.memory_space<vmem>>, vector<16xf32>,
      %mul3A_73 = arith.constant 128 : i32
      %mul3A_74 = arith.muli %scan3A_55, %mul3A_73 : i32
      %add3A_75 = arith.constant 48 : i32
      %add3A_76 = arith.addi %mul3A_74, %add3A_75 : i32
      %swap3A_77 = arith.index_cast %add3A_76 : i32 to index
      %swap3A_78 = tpu.vector_load %arg6[%swap3A_77] {strides = array<i32>} : memref<100096xf32, #tpu.memory_space<vmem>>, vector<16xf32>,
      tpu.vector_store %arg6[%swap3A_77], %broadcast_in_dim3A_28 {strides = array<i32>} : memref<100096xf32, #tpu.memory_space<vmem>>, vector<16xf32>,
      %mul3A_79 = arith.constant 128 : i32
      %mul3A_80 = arith.muli %scan3A_55, %mul3A_79 : i32
      %add3A_81 = arith.constant 64 : i32
      %add3A_82 = arith.addi %mul3A_80, %add3A_81 : i32
      %swap3A_83 = arith.index_cast %add3A_82 : i32 to index
      %swap3A_84 = tpu.vector_load %arg6[%swap3A_83] {strides = array<i32>} : memref<100096xf32, #tpu.memory_space<vmem>>, vector<16xf32>,
      tpu.vector_store %arg6[%swap3A_83], %broadcast_in_dim3A_28 {strides = array<i32>} : memref<100096xf32, #tpu.memory_space<vmem>>, vector<16xf32>,
      %mul3A_85 = arith.constant 128 : i32
      %mul3A_86 = arith.muli %scan3A_55, %mul3A_85 : i32
      %add3A_87 = arith.constant 80 : i32
      %add3A_88 = arith.addi %mul3A_86, %add3A_87 : i32
      %swap3A_89 = arith.index_cast %add3A_88 : i32 to index
      %swap3A_90 = tpu.vector_load %arg6[%swap3A_89] {strides = array<i32>} : memref<100096xf32, #tpu.memory_space<vmem>>, vector<16xf32>,
      tpu.vector_store %arg6[%swap3A_89], %broadcast_in_dim3A_28 {strides = array<i32>} : memref<100096xf32, #tpu.memory_space<vmem>>, vector<16xf32>,
      %mul3A_91 = arith.constant 128 : i32
      %mul3A_92 = arith.muli %scan3A_55, %mul3A_91 : i32
      %add3A_93 = arith.constant 96 : i32
      %add3A_94 = arith.addi %mul3A_92, %add3A_93 : i32
      %swap3A_95 = arith.index_cast %add3A_94 : i32 to index
      %swap3A_96 = tpu.vector_load %arg6[%swap3A_95] {strides = array<i32>} : memref<100096xf32, #tpu.memory_space<vmem>>, vector<16xf32>,
      tpu.vector_store %arg6[%swap3A_95], %broadcast_in_dim3A_28 {strides = array<i32>} : memref<100096xf32, #tpu.memory_space<vmem>>, vector<16xf32>,
      %mul3A_97 = arith.constant 128 : i32
      %mul3A_98 = arith.muli %scan3A_55, %mul3A_97 : i32
      %add3A_99 = arith.constant 112 : i32
      %add3A_100 = arith.addi %mul3A_98, %add3A_99 : i32
      %swap3A_101 = arith.index_cast %add3A_100 : i32 to index
      %swap3A_102 = tpu.vector_load %arg6[%swap3A_101] {strides = array<i32>} : memref<100096xf32, #tpu.memory_space<vmem>>, vector<16xf32>,
      tpu.vector_store %arg6[%swap3A_101], %broadcast_in_dim3A_28 {strides = array<i32>} : memref<100096xf32, #tpu.memory_space<vmem>>, vector<16xf32>,
    }
    %scan3A_33 = arith.constant 782 : i32
    %scan3A_34 = arith.constant 0 : i32
    %scan3A_35 = arith.constant 0 : i32
    %scan3A_36 = arith.constant 25 : i32
    %scan3A_37 = arith.addi %scan3A_35, %scan3A_36 : i32
    %scan3A_38 = arith.constant 1 : i32
    scf.for %scan3A_55 = %scan3A_35 to %scan3A_37 step %scan3A_38  : i32 {
      %mul3A_56 = arith.constant 2 : i32
      %mul3A_57 = arith.muli %scan3A_55, %mul3A_56 : i32
      %add3A_58 = arith.constant 0 : i32
      %add3A_59 = arith.addi %mul3A_57, %add3A_58 : i32
      %dma_wait3A_60 = arith.constant 0 : i32
      %dma_wait3A_61 = arith.constant 0 : i32
      %dma_wait3A_62 = tpu.memref_slice %arg2[%dma_wait3A_61] : memref<6400000xi32, #tpu.memory_space<hbm>> -> memref<4000xi32, #tpu.memory_space<hbm>>
      %dma_wait3A_63 = tpu.memref_slice %arg13[%dma_wait3A_60] : memref<2x!tpu.dma_semaphore, #tpu.memory_space<semaphore_mem>> -> memref<1x!tpu.dma_semaphore, #tpu.memory_space<semaphore_mem>>
      %dma_wait3A_64 = tpu.memref_squeeze %dma_wait3A_63 : memref<1x!tpu.dma_semaphore, #tpu.memory_space<semaphore_mem>> -> memref<!tpu.dma_semaphore, #tpu.memory_space<semaphore_mem>>
      %dma_wait3A_65 = arith.constant 0 : i32
      %dma_wait3A_66 = tpu.memref_slice %arg2[%dma_wait3A_65] : memref<6400000xi32, #tpu.memory_space<hbm>> -> memref<4000xi32, #tpu.memory_space<hbm>>
      tpu.wait_dma2 semaphore(%dma_wait3A_64 : memref<!tpu.dma_semaphore, #tpu.memory_space<semaphore_mem>>) src(%dma_wait3A_66 : memref<4000xi32, #tpu.memory_space<hbm>>) dst(%arg7 : memref<4000xi32, #tpu.memory_space<vmem>>)
      %dma_wait3A_67 = arith.constant 0 : i32
      %dma_wait3A_68 = arith.constant 0 : i32
      %dma_wait3A_69 = tpu.memref_slice %arg3[%dma_wait3A_68] : memref<6400000xf32, #tpu.memory_space<hbm>> -> memref<4000xf32, #tpu.memory_space<hbm>>
      %dma_wait3A_70 = tpu.memref_slice %arg14[%dma_wait3A_67] : memref<2x!tpu.dma_semaphore, #tpu.memory_space<semaphore_mem>> -> memref<1x!tpu.dma_semaphore, #tpu.memory_space<semaphore_mem>>
      %dma_wait3A_71 = tpu.memref_squeeze %dma_wait3A_70 : memref<1x!tpu.dma_semaphore, #tpu.memory_space<semaphore_mem>> -> memref<!tpu.dma_semaphore, #tpu.memory_space<semaphore_mem>>
      %dma_wait3A_72 = arith.constant 0 : i32
      %dma_wait3A_73 = tpu.memref_slice %arg3[%dma_wait3A_72] : memref<6400000xf32, #tpu.memory_space<hbm>> -> memref<4000xf32, #tpu.memory_space<hbm>>
      tpu.wait_dma2 semaphore(%dma_wait3A_71 : memref<!tpu.dma_semaphore, #tpu.memory_space<semaphore_mem>>) src(%dma_wait3A_73 : memref<4000xf32, #tpu.memory_space<hbm>>) dst(%arg9 : memref<4000xf32, #tpu.memory_space<vmem>>)
      %ge3A = arith.constant 2 : i32
      %ge3A_74 = arith.cmpi sge, %add3A_59, %ge3A : i32
      %convert_element_type3A = arith.extui %ge3A_74 : i1 to i32
      %cond3A = arith.constant 0 : i32
      %cond3A_75 = arith.cmpi ne, %convert_element_type3A, %cond3A : i32
      scf.if %cond3A_75 {
        %dma_wait3A_144 = arith.constant 0 : i32
        %dma_wait3A_145 = arith.constant 0 : i32
        %dma_wait3A_146 = tpu.memref_slice %arg5[%dma_wait3A_145] : memref<6400000xf32, #tpu.memory_space<hbm>> -> memref<4000xf32, #tpu.memory_space<hbm>>
        %dma_wait3A_147 = tpu.memref_slice %arg15[%dma_wait3A_144] : memref<2x!tpu.dma_semaphore, #tpu.memory_space<semaphore_mem>> -> memref<1x!tpu.dma_semaphore, #tpu.memory_space<semaphore_mem>>
        %dma_wait3A_148 = tpu.memref_squeeze %dma_wait3A_147 : memref<1x!tpu.dma_semaphore, #tpu.memory_space<semaphore_mem>> -> memref<!tpu.dma_semaphore, #tpu.memory_space<semaphore_mem>>
        %dma_wait3A_149 = arith.constant 0 : i32
        %dma_wait3A_150 = tpu.memref_slice %arg5[%dma_wait3A_149] : memref<6400000xf32, #tpu.memory_space<hbm>> -> memref<4000xf32, #tpu.memory_space<hbm>>
        tpu.wait_dma2 semaphore(%dma_wait3A_148 : memref<!tpu.dma_semaphore, #tpu.memory_space<semaphore_mem>>) src(%arg11 : memref<4000xf32, #tpu.memory_space<vmem>>) dst(%dma_wait3A_150 : memref<4000xf32, #tpu.memory_space<hbm>>)
      } else {
      }
      %scan3A_76 = arith.constant 0 : i32
      %scan3A_77 = arith.constant 0 : i32
      %scan3A_78 = arith.constant 25 : i32
      %scan3A_79 = arith.addi %scan3A_77, %scan3A_78 : i32
      %scan3A_80 = arith.constant 1 : i32
      scf.for %scan3A_144 = %scan3A_77 to %scan3A_79 step %scan3A_80  : i32 {
        %mul3A_145 = arith.constant 10 : i32
        %mul3A_146 = arith.muli %scan3A_144, %mul3A_145 : i32
        %mul3A_147 = arith.constant 16 : i32
        %mul3A_148 = arith.muli %mul3A_146, %mul3A_147 : i32
        %add3A_149 = arith.constant 0 : i32
        %add3A_150 = arith.addi %mul3A_148, %add3A_149 : i32
        %get3A = arith.index_cast %add3A_150 : i32 to index
        %get3A_151 = tpu.vector_load %arg7[%get3A] {strides = array<i32>} : memref<4000xi32, #tpu.memory_space<vmem>>, vector<16xi32>,
        %add3A_152 = arith.constant 16 : i32
        %add3A_153 = arith.addi %mul3A_148, %add3A_152 : i32
        %get3A_154 = arith.index_cast %add3A_153 : i32 to index
        %get3A_155 = tpu.vector_load %arg7[%get3A_154] {strides = array<i32>} : memref<4000xi32, #tpu.memory_space<vmem>>, vector<16xi32>,
        %add3A_156 = arith.constant 32 : i32
        %add3A_157 = arith.addi %mul3A_148, %add3A_156 : i32
        %get3A_158 = arith.index_cast %add3A_157 : i32 to index
        %get3A_159 = tpu.vector_load %arg7[%get3A_158] {strides = array<i32>} : memref<4000xi32, #tpu.memory_space<vmem>>, vector<16xi32>,
        %add3A_160 = arith.constant 48 : i32
        %add3A_161 = arith.addi %mul3A_148, %add3A_160 : i32
        %get3A_162 = arith.index_cast %add3A_161 : i32 to index
        %get3A_163 = tpu.vector_load %arg7[%get3A_162] {strides = array<i32>} : memref<4000xi32, #tpu.memory_space<vmem>>, vector<16xi32>,
        %add3A_164 = arith.constant 64 : i32
        %add3A_165 = arith.addi %mul3A_148, %add3A_164 : i32
        %get3A_166 = arith.index_cast %add3A_165 : i32 to index
        %get3A_167 = tpu.vector_load %arg7[%get3A_166] {strides = array<i32>} : memref<4000xi32, #tpu.memory_space<vmem>>, vector<16xi32>,
        %add3A_168 = arith.constant 80 : i32
        %add3A_169 = arith.addi %mul3A_148, %add3A_168 : i32
        %get3A_170 = arith.index_cast %add3A_169 : i32 to index
        %get3A_171 = tpu.vector_load %arg7[%get3A_170] {strides = array<i32>} : memref<4000xi32, #tpu.memory_space<vmem>>, vector<16xi32>,
        %add3A_172 = arith.constant 96 : i32
        %add3A_173 = arith.addi %mul3A_148, %add3A_172 : i32
        %get3A_174 = arith.index_cast %add3A_173 : i32 to index
        %get3A_175 = tpu.vector_load %arg7[%get3A_174] {strides = array<i32>} : memref<4000xi32, #tpu.memory_space<vmem>>, vector<16xi32>,
        %add3A_176 = arith.constant 112 : i32
        %add3A_177 = arith.addi %mul3A_148, %add3A_176 : i32
        %get3A_178 = arith.index_cast %add3A_177 : i32 to index
        %get3A_179 = tpu.vector_load %arg7[%get3A_178] {strides = array<i32>} : memref<4000xi32, #tpu.memory_space<vmem>>, vector<16xi32>,
        %add3A_180 = arith.constant 128 : i32
        %add3A_181 = arith.addi %mul3A_148, %add3A_180 : i32
        %get3A_182 = arith.index_cast %add3A_181 : i32 to index
        %get3A_183 = tpu.vector_load %arg7[%get3A_182] {strides = array<i32>} : memref<4000xi32, #tpu.memory_space<vmem>>, vector<16xi32>,
        %add3A_184 = arith.constant 144 : i32
        %add3A_185 = arith.addi %mul3A_148, %add3A_184 : i32
        %get3A_186 = arith.index_cast %add3A_185 : i32 to index
        %get3A_187 = tpu.vector_load %arg7[%get3A_186] {strides = array<i32>} : memref<4000xi32, #tpu.memory_space<vmem>>, vector<16xi32>,
        %add3A_188 = arith.constant 0 : i32
        %add3A_189 = arith.addi %mul3A_148, %add3A_188 : i32
        %get3A_190 = arith.index_cast %add3A_189 : i32 to index
        %get3A_191 = tpu.vector_load %arg9[%get3A_190] {strides = array<i32>} : memref<4000xf32, #tpu.memory_space<vmem>>, vector<16xf32>,
        %exp3A = math.exp %get3A_191 : vector<16xf32>
        %add3A_192 = arith.constant 16 : i32
        %add3A_193 = arith.addi %mul3A_148, %add3A_192 : i32
        %get3A_194 = arith.index_cast %add3A_193 : i32 to index
        %get3A_195 = tpu.vector_load %arg9[%get3A_194] {strides = array<i32>} : memref<4000xf32, #tpu.memory_space<vmem>>, vector<16xf32>,
        %exp3A_196 = math.exp %get3A_195 : vector<16xf32>
        %add3A_197 = arith.constant 32 : i32
        %add3A_198 = arith.addi %mul3A_148, %add3A_197 : i32
        %get3A_199 = arith.index_cast %add3A_198 : i32 to index
        %get3A_200 = tpu.vector_load %arg9[%get3A_199] {strides = array<i32>} : memref<4000xf32, #tpu.memory_space<vmem>>, vector<16xf32>,
        %exp3A_201 = math.exp %get3A_200 : vector<16xf32>
        %add3A_202 = arith.constant 48 : i32
        %add3A_203 = arith.addi %mul3A_148, %add3A_202 : i32
        %get3A_204 = arith.index_cast %add3A_203 : i32 to index
        %get3A_205 = tpu.vector_load %arg9[%get3A_204] {strides = array<i32>} : memref<4000xf32, #tpu.memory_space<vmem>>, vector<16xf32>,
        %exp3A_206 = math.exp %get3A_205 : vector<16xf32>
        %add3A_207 = arith.constant 64 : i32
        %add3A_208 = arith.addi %mul3A_148, %add3A_207 : i32
        %get3A_209 = arith.index_cast %add3A_208 : i32 to index
        %get3A_210 = tpu.vector_load %arg9[%get3A_209] {strides = array<i32>} : memref<4000xf32, #tpu.memory_space<vmem>>, vector<16xf32>,
        %exp3A_211 = math.exp %get3A_210 : vector<16xf32>
        %add3A_212 = arith.constant 80 : i32
        %add3A_213 = arith.addi %mul3A_148, %add3A_212 : i32
        %get3A_214 = arith.index_cast %add3A_213 : i32 to index
        %get3A_215 = tpu.vector_load %arg9[%get3A_214] {strides = array<i32>} : memref<4000xf32, #tpu.memory_space<vmem>>, vector<16xf32>,
        %exp3A_216 = math.exp %get3A_215 : vector<16xf32>
        %add3A_217 = arith.constant 96 : i32
        %add3A_218 = arith.addi %mul3A_148, %add3A_217 : i32
        %get3A_219 = arith.index_cast %add3A_218 : i32 to index
        %get3A_220 = tpu.vector_load %arg9[%get3A_219] {strides = array<i32>} : memref<4000xf32, #tpu.memory_space<vmem>>, vector<16xf32>,
        %exp3A_221 = math.exp %get3A_220 : vector<16xf32>
        %add3A_222 = arith.constant 112 : i32
        %add3A_223 = arith.addi %mul3A_148, %add3A_222 : i32
        %get3A_224 = arith.index_cast %add3A_223 : i32 to index
        %get3A_225 = tpu.vector_load %arg9[%get3A_224] {strides = array<i32>} : memref<4000xf32, #tpu.memory_space<vmem>>, vector<16xf32>,
        %exp3A_226 = math.exp %get3A_225 : vector<16xf32>
        %add3A_227 = arith.constant 128 : i32
        %add3A_228 = arith.addi %mul3A_148, %add3A_227 : i32
        %get3A_229 = arith.index_cast %add3A_228 : i32 to index
        %get3A_230 = tpu.vector_load %arg9[%get3A_229] {strides = array<i32>} : memref<4000xf32, #tpu.memory_space<vmem>>, vector<16xf32>,
        %exp3A_231 = math.exp %get3A_230 : vector<16xf32>
        %add3A_232 = arith.constant 144 : i32
        %add3A_233 = arith.addi %mul3A_148, %add3A_232 : i32
        %get3A_234 = arith.index_cast %add3A_233 : i32 to index
        %get3A_235 = tpu.vector_load %arg9[%get3A_234] {strides = array<i32>} : memref<4000xf32, #tpu.memory_space<vmem>>, vector<16xf32>,
        %exp3A_236 = math.exp %get3A_235 : vector<16xf32>
        %add3A_237 = arith.constant 0 : i32
        %add3A_238 = arith.addi %mul3A_148, %add3A_237 : i32
        %swap3A = arith.index_cast %add3A_238 : i32 to index
        %swap3A_239 = tpu.vector_load %arg11[%swap3A] {strides = array<i32>} : memref<4000xf32, #tpu.memory_space<vmem>>, vector<16xf32>,
        tpu.vector_store %arg11[%swap3A], %exp3A {strides = array<i32>} : memref<4000xf32, #tpu.memory_space<vmem>>, vector<16xf32>,
        %add3A_240 = arith.constant 16 : i32
        %add3A_241 = arith.addi %mul3A_148, %add3A_240 : i32
        %swap3A_242 = arith.index_cast %add3A_241 : i32 to index
        %swap3A_243 = tpu.vector_load %arg11[%swap3A_242] {strides = array<i32>} : memref<4000xf32, #tpu.memory_space<vmem>>, vector<16xf32>,
        tpu.vector_store %arg11[%swap3A_242], %exp3A_196 {strides = array<i32>} : memref<4000xf32, #tpu.memory_space<vmem>>, vector<16xf32>,
        %add3A_244 = arith.constant 32 : i32
        %add3A_245 = arith.addi %mul3A_148, %add3A_244 : i32
        %swap3A_246 = arith.index_cast %add3A_245 : i32 to index
        %swap3A_247 = tpu.vector_load %arg11[%swap3A_246] {strides = array<i32>} : memref<4000xf32, #tpu.memory_space<vmem>>, vector<16xf32>,
        tpu.vector_store %arg11[%swap3A_246], %exp3A_201 {strides = array<i32>} : memref<4000xf32, #tpu.memory_space<vmem>>, vector<16xf32>,
        %add3A_248 = arith.constant 48 : i32
        %add3A_249 = arith.addi %mul3A_148, %add3A_248 : i32
        %swap3A_250 = arith.index_cast %add3A_249 : i32 to index
        %swap3A_251 = tpu.vector_load %arg11[%swap3A_250] {strides = array<i32>} : memref<4000xf32, #tpu.memory_space<vmem>>, vector<16xf32>,
        tpu.vector_store %arg11[%swap3A_250], %exp3A_206 {strides = array<i32>} : memref<4000xf32, #tpu.memory_space<vmem>>, vector<16xf32>,
        %add3A_252 = arith.constant 64 : i32
        %add3A_253 = arith.addi %mul3A_148, %add3A_252 : i32
        %swap3A_254 = arith.index_cast %add3A_253 : i32 to index
        %swap3A_255 = tpu.vector_load %arg11[%swap3A_254] {strides = array<i32>} : memref<4000xf32, #tpu.memory_space<vmem>>, vector<16xf32>,
        tpu.vector_store %arg11[%swap3A_254], %exp3A_211 {strides = array<i32>} : memref<4000xf32, #tpu.memory_space<vmem>>, vector<16xf32>,
        %add3A_256 = arith.constant 80 : i32
        %add3A_257 = arith.addi %mul3A_148, %add3A_256 : i32
        %swap3A_258 = arith.index_cast %add3A_257 : i32 to index
        %swap3A_259 = tpu.vector_load %arg11[%swap3A_258] {strides = array<i32>} : memref<4000xf32, #tpu.memory_space<vmem>>, vector<16xf32>,
        tpu.vector_store %arg11[%swap3A_258], %exp3A_216 {strides = array<i32>} : memref<4000xf32, #tpu.memory_space<vmem>>, vector<16xf32>,
        %add3A_260 = arith.constant 96 : i32
        %add3A_261 = arith.addi %mul3A_148, %add3A_260 : i32
        %swap3A_262 = arith.index_cast %add3A_261 : i32 to index
        %swap3A_263 = tpu.vector_load %arg11[%swap3A_262] {strides = array<i32>} : memref<4000xf32, #tpu.memory_space<vmem>>, vector<16xf32>,
        tpu.vector_store %arg11[%swap3A_262], %exp3A_221 {strides = array<i32>} : memref<4000xf32, #tpu.memory_space<vmem>>, vector<16xf32>,
        %add3A_264 = arith.constant 112 : i32
        %add3A_265 = arith.addi %mul3A_148, %add3A_264 : i32
        %swap3A_266 = arith.index_cast %add3A_265 : i32 to index
        %swap3A_267 = tpu.vector_load %arg11[%swap3A_266] {strides = array<i32>} : memref<4000xf32, #tpu.memory_space<vmem>>, vector<16xf32>,
        tpu.vector_store %arg11[%swap3A_266], %exp3A_226 {strides = array<i32>} : memref<4000xf32, #tpu.memory_space<vmem>>, vector<16xf32>,
        %add3A_268 = arith.constant 128 : i32
        %add3A_269 = arith.addi %mul3A_148, %add3A_268 : i32
        %swap3A_270 = arith.index_cast %add3A_269 : i32 to index
        %swap3A_271 = tpu.vector_load %arg11[%swap3A_270] {strides = array<i32>} : memref<4000xf32, #tpu.memory_space<vmem>>, vector<16xf32>,
        tpu.vector_store %arg11[%swap3A_270], %exp3A_231 {strides = array<i32>} : memref<4000xf32, #tpu.memory_space<vmem>>, vector<16xf32>,
        %add3A_272 = arith.constant 144 : i32
        %add3A_273 = arith.addi %mul3A_148, %add3A_272 : i32
        %swap3A_274 = arith.index_cast %add3A_273 : i32 to index
        %swap3A_275 = tpu.vector_load %arg11[%swap3A_274] {strides = array<i32>} : memref<4000xf32, #tpu.memory_space<vmem>>, vector<16xf32>,
        tpu.vector_store %arg11[%swap3A_274], %exp3A_236 {strides = array<i32>} : memref<4000xf32, #tpu.memory_space<vmem>>, vector<16xf32>,
        tpu.vector_store_idx %arg6[%get3A_151], %exp3A {add = true} : memref<100096xf32, #tpu.memory_space<vmem>>[vector<16xi32>], vector<16xf32>,
        tpu.vector_store_idx %arg6[%get3A_155], %exp3A_196 {add = true} : memref<100096xf32, #tpu.memory_space<vmem>>[vector<16xi32>], vector<16xf32>,
        tpu.vector_store_idx %arg6[%get3A_159], %exp3A_201 {add = true} : memref<100096xf32, #tpu.memory_space<vmem>>[vector<16xi32>], vector<16xf32>,
        tpu.vector_store_idx %arg6[%get3A_163], %exp3A_206 {add = true} : memref<100096xf32, #tpu.memory_space<vmem>>[vector<16xi32>], vector<16xf32>,
        tpu.vector_store_idx %arg6[%get3A_167], %exp3A_211 {add = true} : memref<100096xf32, #tpu.memory_space<vmem>>[vector<16xi32>], vector<16xf32>,
        tpu.vector_store_idx %arg6[%get3A_171], %exp3A_216 {add = true} : memref<100096xf32, #tpu.memory_space<vmem>>[vector<16xi32>], vector<16xf32>,
        tpu.vector_store_idx %arg6[%get3A_175], %exp3A_221 {add = true} : memref<100096xf32, #tpu.memory_space<vmem>>[vector<16xi32>], vector<16xf32>,
        tpu.vector_store_idx %arg6[%get3A_179], %exp3A_226 {add = true} : memref<100096xf32, #tpu.memory_space<vmem>>[vector<16xi32>], vector<16xf32>,
        tpu.vector_store_idx %arg6[%get3A_183], %exp3A_231 {add = true} : memref<100096xf32, #tpu.memory_space<vmem>>[vector<16xi32>], vector<16xf32>,
        tpu.vector_store_idx %arg6[%get3A_187], %exp3A_236 {add = true} : memref<100096xf32, #tpu.memory_space<vmem>>[vector<16xi32>], vector<16xf32>,
      }
      %scan3A_81 = arith.constant 25 : i32
      %add3A_82 = arith.constant 2 : i32
      %add3A_83 = arith.addi %add3A_59, %add3A_82 : i32
      %lt3A = arith.constant 50 : i32
      %lt3A_84 = arith.cmpi slt, %add3A_83, %lt3A : i32
      %convert_element_type3A_85 = arith.extui %lt3A_84 : i1 to i32
      %cond3A_86 = arith.constant 0 : i32
      %cond3A_87 = arith.cmpi ne, %convert_element_type3A_85, %cond3A_86 : i32
      scf.if %cond3A_87 {
        %add3A_144 = arith.constant 2 : i32
        %add3A_145 = arith.addi %add3A_59, %add3A_144 : i32
        %mul3A_146 = arith.constant 200000 : i32
        %mul3A_147 = arith.muli %add3A, %mul3A_146 : i32
        %mul3A_148 = arith.constant 4000 : i32
        %mul3A_149 = arith.muli %add3A_145, %mul3A_148 : i32
        %add3A_150 = arith.addi %mul3A_147, %mul3A_149 : i32
        %dma_start3A_151 = arith.constant 0 : i32
        %dma_start3A_152 = tpu.memref_slice %arg2[%add3A_150] : memref<6400000xi32, #tpu.memory_space<hbm>> -> memref<4000xi32, #tpu.memory_space<hbm>>
        %dma_start3A_153 = tpu.memref_slice %arg13[%dma_start3A_151] : memref<2x!tpu.dma_semaphore, #tpu.memory_space<semaphore_mem>> -> memref<1x!tpu.dma_semaphore, #tpu.memory_space<semaphore_mem>>
        %dma_start3A_154 = tpu.memref_squeeze %dma_start3A_153 : memref<1x!tpu.dma_semaphore, #tpu.memory_space<semaphore_mem>> -> memref<!tpu.dma_semaphore, #tpu.memory_space<semaphore_mem>>
        %dma_start3A_155 = tpu.memref_slice %arg2[%add3A_150] : memref<6400000xi32, #tpu.memory_space<hbm>> -> memref<4000xi32, #tpu.memory_space<hbm>>
        tpu.enqueue_dma source(%dma_start3A_155 : memref<4000xi32, #tpu.memory_space<hbm>>) target(%arg7 : memref<4000xi32, #tpu.memory_space<vmem>>) target_semaphore(%dma_start3A_154 : memref<!tpu.dma_semaphore, #tpu.memory_space<semaphore_mem>>)
        %dma_start3A_156 = arith.constant 0 : i32
        %dma_start3A_157 = tpu.memref_slice %arg3[%add3A_150] : memref<6400000xf32, #tpu.memory_space<hbm>> -> memref<4000xf32, #tpu.memory_space<hbm>>
        %dma_start3A_158 = tpu.memref_slice %arg14[%dma_start3A_156] : memref<2x!tpu.dma_semaphore, #tpu.memory_space<semaphore_mem>> -> memref<1x!tpu.dma_semaphore, #tpu.memory_space<semaphore_mem>>
        %dma_start3A_159 = tpu.memref_squeeze %dma_start3A_158 : memref<1x!tpu.dma_semaphore, #tpu.memory_space<semaphore_mem>> -> memref<!tpu.dma_semaphore, #tpu.memory_space<semaphore_mem>>
        %dma_start3A_160 = tpu.memref_slice %arg3[%add3A_150] : memref<6400000xf32, #tpu.memory_space<hbm>> -> memref<4000xf32, #tpu.memory_space<hbm>>
        tpu.enqueue_dma source(%dma_start3A_160 : memref<4000xf32, #tpu.memory_space<hbm>>) target(%arg9 : memref<4000xf32, #tpu.memory_space<vmem>>) target_semaphore(%dma_start3A_159 : memref<!tpu.dma_semaphore, #tpu.memory_space<semaphore_mem>>)
      } else {
      }
      %mul3A_88 = arith.constant 200000 : i32
      %mul3A_89 = arith.muli %add3A, %mul3A_88 : i32
      %mul3A_90 = arith.constant 4000 : i32
      %mul3A_91 = arith.muli %add3A_59, %mul3A_90 : i32
      %add3A_92 = arith.addi %mul3A_89, %mul3A_91 : i32
      %dma_start3A_93 = arith.constant 0 : i32
      %dma_start3A_94 = tpu.memref_slice %arg5[%add3A_92] : memref<6400000xf32, #tpu.memory_space<hbm>> -> memref<4000xf32, #tpu.memory_space<hbm>>
      %dma_start3A_95 = tpu.memref_slice %arg15[%dma_start3A_93] : memref<2x!tpu.dma_semaphore, #tpu.memory_space<semaphore_mem>> -> memref<1x!tpu.dma_semaphore, #tpu.memory_space<semaphore_mem>>
      %dma_start3A_96 = tpu.memref_squeeze %dma_start3A_95 : memref<1x!tpu.dma_semaphore, #tpu.memory_space<semaphore_mem>> -> memref<!tpu.dma_semaphore, #tpu.memory_space<semaphore_mem>>
      %dma_start3A_97 = tpu.memref_slice %arg5[%add3A_92] : memref<6400000xf32, #tpu.memory_space<hbm>> -> memref<4000xf32, #tpu.memory_space<hbm>>
      tpu.enqueue_dma source(%arg11 : memref<4000xf32, #tpu.memory_space<vmem>>) target(%dma_start3A_97 : memref<4000xf32, #tpu.memory_space<hbm>>) target_semaphore(%dma_start3A_96 : memref<!tpu.dma_semaphore, #tpu.memory_space<semaphore_mem>>)
      %mul3A_98 = arith.constant 2 : i32
      %mul3A_99 = arith.muli %scan3A_55, %mul3A_98 : i32
      %add3A_100 = arith.constant 1 : i32
      %add3A_101 = arith.addi %mul3A_99, %add3A_100 : i32
      %dma_wait3A_102 = arith.constant 1 : i32
      %dma_wait3A_103 = arith.constant 0 : i32
      %dma_wait3A_104 = tpu.memref_slice %arg2[%dma_wait3A_103] : memref<6400000xi32, #tpu.memory_space<hbm>> -> memref<4000xi32, #tpu.memory_space<hbm>>
      %dma_wait3A_105 = tpu.memref_slice %arg13[%dma_wait3A_102] : memref<2x!tpu.dma_semaphore, #tpu.memory_space<semaphore_mem>> -> memref<1x!tpu.dma_semaphore, #tpu.memory_space<semaphore_mem>>
      %dma_wait3A_106 = tpu.memref_squeeze %dma_wait3A_105 : memref<1x!tpu.dma_semaphore, #tpu.memory_space<semaphore_mem>> -> memref<!tpu.dma_semaphore, #tpu.memory_space<semaphore_mem>>
      %dma_wait3A_107 = arith.constant 0 : i32
      %dma_wait3A_108 = tpu.memref_slice %arg2[%dma_wait3A_107] : memref<6400000xi32, #tpu.memory_space<hbm>> -> memref<4000xi32, #tpu.memory_space<hbm>>
      tpu.wait_dma2 semaphore(%dma_wait3A_106 : memref<!tpu.dma_semaphore, #tpu.memory_space<semaphore_mem>>) src(%dma_wait3A_108 : memref<4000xi32, #tpu.memory_space<hbm>>) dst(%arg8 : memref<4000xi32, #tpu.memory_space<vmem>>)
      %dma_wait3A_109 = arith.constant 1 : i32
      %dma_wait3A_110 = arith.constant 0 : i32
      %dma_wait3A_111 = tpu.memref_slice %arg3[%dma_wait3A_110] : memref<6400000xf32, #tpu.memory_space<hbm>> -> memref<4000xf32, #tpu.memory_space<hbm>>
      %dma_wait3A_112 = tpu.memref_slice %arg14[%dma_wait3A_109] : memref<2x!tpu.dma_semaphore, #tpu.memory_space<semaphore_mem>> -> memref<1x!tpu.dma_semaphore, #tpu.memory_space<semaphore_mem>>
      %dma_wait3A_113 = tpu.memref_squeeze %dma_wait3A_112 : memref<1x!tpu.dma_semaphore, #tpu.memory_space<semaphore_mem>> -> memref<!tpu.dma_semaphore, #tpu.memory_space<semaphore_mem>>
      %dma_wait3A_114 = arith.constant 0 : i32
      %dma_wait3A_115 = tpu.memref_slice %arg3[%dma_wait3A_114] : memref<6400000xf32, #tpu.memory_space<hbm>> -> memref<4000xf32, #tpu.memory_space<hbm>>
      tpu.wait_dma2 semaphore(%dma_wait3A_113 : memref<!tpu.dma_semaphore, #tpu.memory_space<semaphore_mem>>) src(%dma_wait3A_115 : memref<4000xf32, #tpu.memory_space<hbm>>) dst(%arg10 : memref<4000xf32, #tpu.memory_space<vmem>>)
      %ge3A_116 = arith.constant 2 : i32
      %ge3A_117 = arith.cmpi sge, %add3A_101, %ge3A_116 : i32
      %convert_element_type3A_118 = arith.extui %ge3A_117 : i1 to i32
      %cond3A_119 = arith.constant 0 : i32
      %cond3A_120 = arith.cmpi ne, %convert_element_type3A_118, %cond3A_119 : i32
      scf.if %cond3A_120 {
        %dma_wait3A_144 = arith.constant 1 : i32
        %dma_wait3A_145 = arith.constant 0 : i32
        %dma_wait3A_146 = tpu.memref_slice %arg5[%dma_wait3A_145] : memref<6400000xf32, #tpu.memory_space<hbm>> -> memref<4000xf32, #tpu.memory_space<hbm>>
        %dma_wait3A_147 = tpu.memref_slice %arg15[%dma_wait3A_144] : memref<2x!tpu.dma_semaphore, #tpu.memory_space<semaphore_mem>> -> memref<1x!tpu.dma_semaphore, #tpu.memory_space<semaphore_mem>>
        %dma_wait3A_148 = tpu.memref_squeeze %dma_wait3A_147 : memref<1x!tpu.dma_semaphore, #tpu.memory_space<semaphore_mem>> -> memref<!tpu.dma_semaphore, #tpu.memory_space<semaphore_mem>>
        %dma_wait3A_149 = arith.constant 0 : i32
        %dma_wait3A_150 = tpu.memref_slice %arg5[%dma_wait3A_149] : memref<6400000xf32, #tpu.memory_space<hbm>> -> memref<4000xf32, #tpu.memory_space<hbm>>
        tpu.wait_dma2 semaphore(%dma_wait3A_148 : memref<!tpu.dma_semaphore, #tpu.memory_space<semaphore_mem>>) src(%arg12 : memref<4000xf32, #tpu.memory_space<vmem>>) dst(%dma_wait3A_150 : memref<4000xf32, #tpu.memory_space<hbm>>)
      } else {
      }
      %scan3A_121 = arith.constant 0 : i32
      %scan3A_122 = arith.constant 0 : i32
      %scan3A_123 = arith.constant 25 : i32
      %scan3A_124 = arith.addi %scan3A_122, %scan3A_123 : i32
      %scan3A_125 = arith.constant 1 : i32
      scf.for %scan3A_144 = %scan3A_122 to %scan3A_124 step %scan3A_125  : i32 {
        %mul3A_145 = arith.constant 10 : i32
        %mul3A_146 = arith.muli %scan3A_144, %mul3A_145 : i32
        %mul3A_147 = arith.constant 16 : i32
        %mul3A_148 = arith.muli %mul3A_146, %mul3A_147 : i32
        %add3A_149 = arith.constant 0 : i32
        %add3A_150 = arith.addi %mul3A_148, %add3A_149 : i32
        %get3A = arith.index_cast %add3A_150 : i32 to index
        %get3A_151 = tpu.vector_load %arg8[%get3A] {strides = array<i32>} : memref<4000xi32, #tpu.memory_space<vmem>>, vector<16xi32>,
        %add3A_152 = arith.constant 16 : i32
        %add3A_153 = arith.addi %mul3A_148, %add3A_152 : i32
        %get3A_154 = arith.index_cast %add3A_153 : i32 to index
        %get3A_155 = tpu.vector_load %arg8[%get3A_154] {strides = array<i32>} : memref<4000xi32, #tpu.memory_space<vmem>>, vector<16xi32>,
        %add3A_156 = arith.constant 32 : i32
        %add3A_157 = arith.addi %mul3A_148, %add3A_156 : i32
        %get3A_158 = arith.index_cast %add3A_157 : i32 to index
        %get3A_159 = tpu.vector_load %arg8[%get3A_158] {strides = array<i32>} : memref<4000xi32, #tpu.memory_space<vmem>>, vector<16xi32>,
        %add3A_160 = arith.constant 48 : i32
        %add3A_161 = arith.addi %mul3A_148, %add3A_160 : i32
        %get3A_162 = arith.index_cast %add3A_161 : i32 to index
        %get3A_163 = tpu.vector_load %arg8[%get3A_162] {strides = array<i32>} : memref<4000xi32, #tpu.memory_space<vmem>>, vector<16xi32>,
        %add3A_164 = arith.constant 64 : i32
        %add3A_165 = arith.addi %mul3A_148, %add3A_164 : i32
        %get3A_166 = arith.index_cast %add3A_165 : i32 to index
        %get3A_167 = tpu.vector_load %arg8[%get3A_166] {strides = array<i32>} : memref<4000xi32, #tpu.memory_space<vmem>>, vector<16xi32>,
        %add3A_168 = arith.constant 80 : i32
        %add3A_169 = arith.addi %mul3A_148, %add3A_168 : i32
        %get3A_170 = arith.index_cast %add3A_169 : i32 to index
        %get3A_171 = tpu.vector_load %arg8[%get3A_170] {strides = array<i32>} : memref<4000xi32, #tpu.memory_space<vmem>>, vector<16xi32>,
        %add3A_172 = arith.constant 96 : i32
        %add3A_173 = arith.addi %mul3A_148, %add3A_172 : i32
        %get3A_174 = arith.index_cast %add3A_173 : i32 to index
        %get3A_175 = tpu.vector_load %arg8[%get3A_174] {strides = array<i32>} : memref<4000xi32, #tpu.memory_space<vmem>>, vector<16xi32>,
        %add3A_176 = arith.constant 112 : i32
        %add3A_177 = arith.addi %mul3A_148, %add3A_176 : i32
        %get3A_178 = arith.index_cast %add3A_177 : i32 to index
        %get3A_179 = tpu.vector_load %arg8[%get3A_178] {strides = array<i32>} : memref<4000xi32, #tpu.memory_space<vmem>>, vector<16xi32>,
        %add3A_180 = arith.constant 128 : i32
        %add3A_181 = arith.addi %mul3A_148, %add3A_180 : i32
        %get3A_182 = arith.index_cast %add3A_181 : i32 to index
        %get3A_183 = tpu.vector_load %arg8[%get3A_182] {strides = array<i32>} : memref<4000xi32, #tpu.memory_space<vmem>>, vector<16xi32>,
        %add3A_184 = arith.constant 144 : i32
        %add3A_185 = arith.addi %mul3A_148, %add3A_184 : i32
        %get3A_186 = arith.index_cast %add3A_185 : i32 to index
        %get3A_187 = tpu.vector_load %arg8[%get3A_186] {strides = array<i32>} : memref<4000xi32, #tpu.memory_space<vmem>>, vector<16xi32>,
        %add3A_188 = arith.constant 0 : i32
        %add3A_189 = arith.addi %mul3A_148, %add3A_188 : i32
        %get3A_190 = arith.index_cast %add3A_189 : i32 to index
        %get3A_191 = tpu.vector_load %arg10[%get3A_190] {strides = array<i32>} : memref<4000xf32, #tpu.memory_space<vmem>>, vector<16xf32>,
        %exp3A = math.exp %get3A_191 : vector<16xf32>
        %add3A_192 = arith.constant 16 : i32
        %add3A_193 = arith.addi %mul3A_148, %add3A_192 : i32
        %get3A_194 = arith.index_cast %add3A_193 : i32 to index
        %get3A_195 = tpu.vector_load %arg10[%get3A_194] {strides = array<i32>} : memref<4000xf32, #tpu.memory_space<vmem>>, vector<16xf32>,
        %exp3A_196 = math.exp %get3A_195 : vector<16xf32>
        %add3A_197 = arith.constant 32 : i32
        %add3A_198 = arith.addi %mul3A_148, %add3A_197 : i32
        %get3A_199 = arith.index_cast %add3A_198 : i32 to index
        %get3A_200 = tpu.vector_load %arg10[%get3A_199] {strides = array<i32>} : memref<4000xf32, #tpu.memory_space<vmem>>, vector<16xf32>,
        %exp3A_201 = math.exp %get3A_200 : vector<16xf32>
        %add3A_202 = arith.constant 48 : i32
        %add3A_203 = arith.addi %mul3A_148, %add3A_202 : i32
        %get3A_204 = arith.index_cast %add3A_203 : i32 to index
        %get3A_205 = tpu.vector_load %arg10[%get3A_204] {strides = array<i32>} : memref<4000xf32, #tpu.memory_space<vmem>>, vector<16xf32>,
        %exp3A_206 = math.exp %get3A_205 : vector<16xf32>
        %add3A_207 = arith.constant 64 : i32
        %add3A_208 = arith.addi %mul3A_148, %add3A_207 : i32
        %get3A_209 = arith.index_cast %add3A_208 : i32 to index
        %get3A_210 = tpu.vector_load %arg10[%get3A_209] {strides = array<i32>} : memref<4000xf32, #tpu.memory_space<vmem>>, vector<16xf32>,
        %exp3A_211 = math.exp %get3A_210 : vector<16xf32>
        %add3A_212 = arith.constant 80 : i32
        %add3A_213 = arith.addi %mul3A_148, %add3A_212 : i32
        %get3A_214 = arith.index_cast %add3A_213 : i32 to index
        %get3A_215 = tpu.vector_load %arg10[%get3A_214] {strides = array<i32>} : memref<4000xf32, #tpu.memory_space<vmem>>, vector<16xf32>,
        %exp3A_216 = math.exp %get3A_215 : vector<16xf32>
        %add3A_217 = arith.constant 96 : i32
        %add3A_218 = arith.addi %mul3A_148, %add3A_217 : i32
        %get3A_219 = arith.index_cast %add3A_218 : i32 to index
        %get3A_220 = tpu.vector_load %arg10[%get3A_219] {strides = array<i32>} : memref<4000xf32, #tpu.memory_space<vmem>>, vector<16xf32>,
        %exp3A_221 = math.exp %get3A_220 : vector<16xf32>
        %add3A_222 = arith.constant 112 : i32
        %add3A_223 = arith.addi %mul3A_148, %add3A_222 : i32
        %get3A_224 = arith.index_cast %add3A_223 : i32 to index
        %get3A_225 = tpu.vector_load %arg10[%get3A_224] {strides = array<i32>} : memref<4000xf32, #tpu.memory_space<vmem>>, vector<16xf32>,
        %exp3A_226 = math.exp %get3A_225 : vector<16xf32>
        %add3A_227 = arith.constant 128 : i32
        %add3A_228 = arith.addi %mul3A_148, %add3A_227 : i32
        %get3A_229 = arith.index_cast %add3A_228 : i32 to index
        %get3A_230 = tpu.vector_load %arg10[%get3A_229] {strides = array<i32>} : memref<4000xf32, #tpu.memory_space<vmem>>, vector<16xf32>,
        %exp3A_231 = math.exp %get3A_230 : vector<16xf32>
        %add3A_232 = arith.constant 144 : i32
        %add3A_233 = arith.addi %mul3A_148, %add3A_232 : i32
        %get3A_234 = arith.index_cast %add3A_233 : i32 to index
        %get3A_235 = tpu.vector_load %arg10[%get3A_234] {strides = array<i32>} : memref<4000xf32, #tpu.memory_space<vmem>>, vector<16xf32>,
        %exp3A_236 = math.exp %get3A_235 : vector<16xf32>
        %add3A_237 = arith.constant 0 : i32
        %add3A_238 = arith.addi %mul3A_148, %add3A_237 : i32
        %swap3A = arith.index_cast %add3A_238 : i32 to index
        %swap3A_239 = tpu.vector_load %arg12[%swap3A] {strides = array<i32>} : memref<4000xf32, #tpu.memory_space<vmem>>, vector<16xf32>,
        tpu.vector_store %arg12[%swap3A], %exp3A {strides = array<i32>} : memref<4000xf32, #tpu.memory_space<vmem>>, vector<16xf32>,
        %add3A_240 = arith.constant 16 : i32
        %add3A_241 = arith.addi %mul3A_148, %add3A_240 : i32
        %swap3A_242 = arith.index_cast %add3A_241 : i32 to index
        %swap3A_243 = tpu.vector_load %arg12[%swap3A_242] {strides = array<i32>} : memref<4000xf32, #tpu.memory_space<vmem>>, vector<16xf32>,
        tpu.vector_store %arg12[%swap3A_242], %exp3A_196 {strides = array<i32>} : memref<4000xf32, #tpu.memory_space<vmem>>, vector<16xf32>,
        %add3A_244 = arith.constant 32 : i32
        %add3A_245 = arith.addi %mul3A_148, %add3A_244 : i32
        %swap3A_246 = arith.index_cast %add3A_245 : i32 to index
        %swap3A_247 = tpu.vector_load %arg12[%swap3A_246] {strides = array<i32>} : memref<4000xf32, #tpu.memory_space<vmem>>, vector<16xf32>,
        tpu.vector_store %arg12[%swap3A_246], %exp3A_201 {strides = array<i32>} : memref<4000xf32, #tpu.memory_space<vmem>>, vector<16xf32>,
        %add3A_248 = arith.constant 48 : i32
        %add3A_249 = arith.addi %mul3A_148, %add3A_248 : i32
        %swap3A_250 = arith.index_cast %add3A_249 : i32 to index
        %swap3A_251 = tpu.vector_load %arg12[%swap3A_250] {strides = array<i32>} : memref<4000xf32, #tpu.memory_space<vmem>>, vector<16xf32>,
        tpu.vector_store %arg12[%swap3A_250], %exp3A_206 {strides = array<i32>} : memref<4000xf32, #tpu.memory_space<vmem>>, vector<16xf32>,
        %add3A_252 = arith.constant 64 : i32
        %add3A_253 = arith.addi %mul3A_148, %add3A_252 : i32
        %swap3A_254 = arith.index_cast %add3A_253 : i32 to index
        %swap3A_255 = tpu.vector_load %arg12[%swap3A_254] {strides = array<i32>} : memref<4000xf32, #tpu.memory_space<vmem>>, vector<16xf32>,
        tpu.vector_store %arg12[%swap3A_254], %exp3A_211 {strides = array<i32>} : memref<4000xf32, #tpu.memory_space<vmem>>, vector<16xf32>,
        %add3A_256 = arith.constant 80 : i32
        %add3A_257 = arith.addi %mul3A_148, %add3A_256 : i32
        %swap3A_258 = arith.index_cast %add3A_257 : i32 to index
        %swap3A_259 = tpu.vector_load %arg12[%swap3A_258] {strides = array<i32>} : memref<4000xf32, #tpu.memory_space<vmem>>, vector<16xf32>,
        tpu.vector_store %arg12[%swap3A_258], %exp3A_216 {strides = array<i32>} : memref<4000xf32, #tpu.memory_space<vmem>>, vector<16xf32>,
        %add3A_260 = arith.constant 96 : i32
        %add3A_261 = arith.addi %mul3A_148, %add3A_260 : i32
        %swap3A_262 = arith.index_cast %add3A_261 : i32 to index
        %swap3A_263 = tpu.vector_load %arg12[%swap3A_262] {strides = array<i32>} : memref<4000xf32, #tpu.memory_space<vmem>>, vector<16xf32>,
        tpu.vector_store %arg12[%swap3A_262], %exp3A_221 {strides = array<i32>} : memref<4000xf32, #tpu.memory_space<vmem>>, vector<16xf32>,
        %add3A_264 = arith.constant 112 : i32
        %add3A_265 = arith.addi %mul3A_148, %add3A_264 : i32
        %swap3A_266 = arith.index_cast %add3A_265 : i32 to index
        %swap3A_267 = tpu.vector_load %arg12[%swap3A_266] {strides = array<i32>} : memref<4000xf32, #tpu.memory_space<vmem>>, vector<16xf32>,
        tpu.vector_store %arg12[%swap3A_266], %exp3A_226 {strides = array<i32>} : memref<4000xf32, #tpu.memory_space<vmem>>, vector<16xf32>,
        %add3A_268 = arith.constant 128 : i32
        %add3A_269 = arith.addi %mul3A_148, %add3A_268 : i32
        %swap3A_270 = arith.index_cast %add3A_269 : i32 to index
        %swap3A_271 = tpu.vector_load %arg12[%swap3A_270] {strides = array<i32>} : memref<4000xf32, #tpu.memory_space<vmem>>, vector<16xf32>,
        tpu.vector_store %arg12[%swap3A_270], %exp3A_231 {strides = array<i32>} : memref<4000xf32, #tpu.memory_space<vmem>>, vector<16xf32>,
        %add3A_272 = arith.constant 144 : i32
        %add3A_273 = arith.addi %mul3A_148, %add3A_272 : i32
        %swap3A_274 = arith.index_cast %add3A_273 : i32 to index
        %swap3A_275 = tpu.vector_load %arg12[%swap3A_274] {strides = array<i32>} : memref<4000xf32, #tpu.memory_space<vmem>>, vector<16xf32>,
        tpu.vector_store %arg12[%swap3A_274], %exp3A_236 {strides = array<i32>} : memref<4000xf32, #tpu.memory_space<vmem>>, vector<16xf32>,
        tpu.vector_store_idx %arg6[%get3A_151], %exp3A {add = true} : memref<100096xf32, #tpu.memory_space<vmem>>[vector<16xi32>], vector<16xf32>,
        tpu.vector_store_idx %arg6[%get3A_155], %exp3A_196 {add = true} : memref<100096xf32, #tpu.memory_space<vmem>>[vector<16xi32>], vector<16xf32>,
        tpu.vector_store_idx %arg6[%get3A_159], %exp3A_201 {add = true} : memref<100096xf32, #tpu.memory_space<vmem>>[vector<16xi32>], vector<16xf32>,
        tpu.vector_store_idx %arg6[%get3A_163], %exp3A_206 {add = true} : memref<100096xf32, #tpu.memory_space<vmem>>[vector<16xi32>], vector<16xf32>,
        tpu.vector_store_idx %arg6[%get3A_167], %exp3A_211 {add = true} : memref<100096xf32, #tpu.memory_space<vmem>>[vector<16xi32>], vector<16xf32>,
        tpu.vector_store_idx %arg6[%get3A_171], %exp3A_216 {add = true} : memref<100096xf32, #tpu.memory_space<vmem>>[vector<16xi32>], vector<16xf32>,
        tpu.vector_store_idx %arg6[%get3A_175], %exp3A_221 {add = true} : memref<100096xf32, #tpu.memory_space<vmem>>[vector<16xi32>], vector<16xf32>,
        tpu.vector_store_idx %arg6[%get3A_179], %exp3A_226 {add = true} : memref<100096xf32, #tpu.memory_space<vmem>>[vector<16xi32>], vector<16xf32>,
        tpu.vector_store_idx %arg6[%get3A_183], %exp3A_231 {add = true} : memref<100096xf32, #tpu.memory_space<vmem>>[vector<16xi32>], vector<16xf32>,
        tpu.vector_store_idx %arg6[%get3A_187], %exp3A_236 {add = true} : memref<100096xf32, #tpu.memory_space<vmem>>[vector<16xi32>], vector<16xf32>,
      }
      %scan3A_126 = arith.constant 25 : i32
      %add3A_127 = arith.constant 2 : i32
      %add3A_128 = arith.addi %add3A_101, %add3A_127 : i32
      %lt3A_129 = arith.constant 50 : i32
      %lt3A_130 = arith.cmpi slt, %add3A_128, %lt3A_129 : i32
      %convert_element_type3A_131 = arith.extui %lt3A_130 : i1 to i32
      %cond3A_132 = arith.constant 0 : i32
      %cond3A_133 = arith.cmpi ne, %convert_element_type3A_131, %cond3A_132 : i32
      scf.if %cond3A_133 {
        %add3A_144 = arith.constant 2 : i32
        %add3A_145 = arith.addi %add3A_101, %add3A_144 : i32
        %mul3A_146 = arith.constant 200000 : i32
        %mul3A_147 = arith.muli %add3A, %mul3A_146 : i32
        %mul3A_148 = arith.constant 4000 : i32
        %mul3A_149 = arith.muli %add3A_145, %mul3A_148 : i32
        %add3A_150 = arith.addi %mul3A_147, %mul3A_149 : i32
        %dma_start3A_151 = arith.constant 1 : i32
        %dma_start3A_152 = tpu.memref_slice %arg2[%add3A_150] : memref<6400000xi32, #tpu.memory_space<hbm>> -> memref<4000xi32, #tpu.memory_space<hbm>>
        %dma_start3A_153 = tpu.memref_slice %arg13[%dma_start3A_151] : memref<2x!tpu.dma_semaphore, #tpu.memory_space<semaphore_mem>> -> memref<1x!tpu.dma_semaphore, #tpu.memory_space<semaphore_mem>>
        %dma_start3A_154 = tpu.memref_squeeze %dma_start3A_153 : memref<1x!tpu.dma_semaphore, #tpu.memory_space<semaphore_mem>> -> memref<!tpu.dma_semaphore, #tpu.memory_space<semaphore_mem>>
        %dma_start3A_155 = tpu.memref_slice %arg2[%add3A_150] : memref<6400000xi32, #tpu.memory_space<hbm>> -> memref<4000xi32, #tpu.memory_space<hbm>>
        tpu.enqueue_dma source(%dma_start3A_155 : memref<4000xi32, #tpu.memory_space<hbm>>) target(%arg8 : memref<4000xi32, #tpu.memory_space<vmem>>) target_semaphore(%dma_start3A_154 : memref<!tpu.dma_semaphore, #tpu.memory_space<semaphore_mem>>)
        %dma_start3A_156 = arith.constant 1 : i32
        %dma_start3A_157 = tpu.memref_slice %arg3[%add3A_150] : memref<6400000xf32, #tpu.memory_space<hbm>> -> memref<4000xf32, #tpu.memory_space<hbm>>
        %dma_start3A_158 = tpu.memref_slice %arg14[%dma_start3A_156] : memref<2x!tpu.dma_semaphore, #tpu.memory_space<semaphore_mem>> -> memref<1x!tpu.dma_semaphore, #tpu.memory_space<semaphore_mem>>
        %dma_start3A_159 = tpu.memref_squeeze %dma_start3A_158 : memref<1x!tpu.dma_semaphore, #tpu.memory_space<semaphore_mem>> -> memref<!tpu.dma_semaphore, #tpu.memory_space<semaphore_mem>>
        %dma_start3A_160 = tpu.memref_slice %arg3[%add3A_150] : memref<6400000xf32, #tpu.memory_space<hbm>> -> memref<4000xf32, #tpu.memory_space<hbm>>
        tpu.enqueue_dma source(%dma_start3A_160 : memref<4000xf32, #tpu.memory_space<hbm>>) target(%arg10 : memref<4000xf32, #tpu.memory_space<vmem>>) target_semaphore(%dma_start3A_159 : memref<!tpu.dma_semaphore, #tpu.memory_space<semaphore_mem>>)
      } else {
      }
      %mul3A_134 = arith.constant 200000 : i32
      %mul3A_135 = arith.muli %add3A, %mul3A_134 : i32
      %mul3A_136 = arith.constant 4000 : i32
      %mul3A_137 = arith.muli %add3A_101, %mul3A_136 : i32
      %add3A_138 = arith.addi %mul3A_135, %mul3A_137 : i32
      %dma_start3A_139 = arith.constant 1 : i32
      %dma_start3A_140 = tpu.memref_slice %arg5[%add3A_138] : memref<6400000xf32, #tpu.memory_space<hbm>> -> memref<4000xf32, #tpu.memory_space<hbm>>
      %dma_start3A_141 = tpu.memref_slice %arg15[%dma_start3A_139] : memref<2x!tpu.dma_semaphore, #tpu.memory_space<semaphore_mem>> -> memref<1x!tpu.dma_semaphore, #tpu.memory_space<semaphore_mem>>
      %dma_start3A_142 = tpu.memref_squeeze %dma_start3A_141 : memref<1x!tpu.dma_semaphore, #tpu.memory_space<semaphore_mem>> -> memref<!tpu.dma_semaphore, #tpu.memory_space<semaphore_mem>>
      %dma_start3A_143 = tpu.memref_slice %arg5[%add3A_138] : memref<6400000xf32, #tpu.memory_space<hbm>> -> memref<4000xf32, #tpu.memory_space<hbm>>
      tpu.enqueue_dma source(%arg12 : memref<4000xf32, #tpu.memory_space<vmem>>) target(%dma_start3A_143 : memref<4000xf32, #tpu.memory_space<hbm>>) target_semaphore(%dma_start3A_142 : memref<!tpu.dma_semaphore, #tpu.memory_space<semaphore_mem>>)
    }
    %scan3A_39 = arith.constant 25 : i32
    %dma_wait3A = arith.constant 0 : i32
    %dma_wait3A_40 = arith.constant 0 : i32
    %dma_wait3A_41 = tpu.memref_slice %arg5[%dma_wait3A_40] : memref<6400000xf32, #tpu.memory_space<hbm>> -> memref<4000xf32, #tpu.memory_space<hbm>>
    %dma_wait3A_42 = tpu.memref_slice %arg15[%dma_wait3A] : memref<2x!tpu.dma_semaphore, #tpu.memory_space<semaphore_mem>> -> memref<1x!tpu.dma_semaphore, #tpu.memory_space<semaphore_mem>>
    %dma_wait3A_43 = tpu.memref_squeeze %dma_wait3A_42 : memref<1x!tpu.dma_semaphore, #tpu.memory_space<semaphore_mem>> -> memref<!tpu.dma_semaphore, #tpu.memory_space<semaphore_mem>>
    %dma_wait3A_44 = arith.constant 0 : i32
    %dma_wait3A_45 = tpu.memref_slice %arg5[%dma_wait3A_44] : memref<6400000xf32, #tpu.memory_space<hbm>> -> memref<4000xf32, #tpu.memory_space<hbm>>
    tpu.wait_dma2 semaphore(%dma_wait3A_43 : memref<!tpu.dma_semaphore, #tpu.memory_space<semaphore_mem>>) src(%arg11 : memref<4000xf32, #tpu.memory_space<vmem>>) dst(%dma_wait3A_45 : memref<4000xf32, #tpu.memory_space<hbm>>)
    %dma_wait3A_46 = arith.constant 1 : i32
    %dma_wait3A_47 = arith.constant 0 : i32
    %dma_wait3A_48 = tpu.memref_slice %arg5[%dma_wait3A_47] : memref<6400000xf32, #tpu.memory_space<hbm>> -> memref<4000xf32, #tpu.memory_space<hbm>>
    %dma_wait3A_49 = tpu.memref_slice %arg15[%dma_wait3A_46] : memref<2x!tpu.dma_semaphore, #tpu.memory_space<semaphore_mem>> -> memref<1x!tpu.dma_semaphore, #tpu.memory_space<semaphore_mem>>
    %dma_wait3A_50 = tpu.memref_squeeze %dma_wait3A_49 : memref<1x!tpu.dma_semaphore, #tpu.memory_space<semaphore_mem>> -> memref<!tpu.dma_semaphore, #tpu.memory_space<semaphore_mem>>
    %dma_wait3A_51 = arith.constant 0 : i32
    %dma_wait3A_52 = tpu.memref_slice %arg5[%dma_wait3A_51] : memref<6400000xf32, #tpu.memory_space<hbm>> -> memref<4000xf32, #tpu.memory_space<hbm>>
    tpu.wait_dma2 semaphore(%dma_wait3A_50 : memref<!tpu.dma_semaphore, #tpu.memory_space<semaphore_mem>>) src(%arg12 : memref<4000xf32, #tpu.memory_space<vmem>>) dst(%dma_wait3A_52 : memref<4000xf32, #tpu.memory_space<hbm>>)
    %mul3A_53 = arith.constant 100096 : i32
    %mul3A_54 = arith.muli %add3A, %mul3A_53 : i32
    "tpu.region"() ({
      %run_scoped3A = tpu.sem_alloc : memref<!tpu.dma_semaphore, #tpu.memory_space<semaphore_mem>>
      %dma_start3A_55 = tpu.memref_slice %arg4[%mul3A_54] : memref<3203072xf32, #tpu.memory_space<hbm>> -> memref<100096xf32, #tpu.memory_space<hbm>>
      %dma_start3A_56 = tpu.memref_slice %arg4[%mul3A_54] : memref<3203072xf32, #tpu.memory_space<hbm>> -> memref<100096xf32, #tpu.memory_space<hbm>>
      tpu.enqueue_dma source(%arg6 : memref<100096xf32, #tpu.memory_space<vmem>>) target(%dma_start3A_56 : memref<100096xf32, #tpu.memory_space<hbm>>) target_semaphore(%run_scoped3A : memref<!tpu.dma_semaphore, #tpu.memory_space<semaphore_mem>>)
      %dma_wait3A_57 = tpu.memref_slice %arg4[%mul3A_54] : memref<3203072xf32, #tpu.memory_space<hbm>> -> memref<100096xf32, #tpu.memory_space<hbm>>
      %dma_wait3A_58 = tpu.memref_slice %arg4[%mul3A_54] : memref<3203072xf32, #tpu.memory_space<hbm>> -> memref<100096xf32, #tpu.memory_space<hbm>>
      tpu.wait_dma2 semaphore(%run_scoped3A : memref<!tpu.dma_semaphore, #tpu.memory_space<semaphore_mem>>) src(%arg6 : memref<100096xf32, #tpu.memory_space<vmem>>) dst(%dma_wait3A_58 : memref<100096xf32, #tpu.memory_space<hbm>>)
      tpu.yield
    }) : () -> ()
    return
  }
}

</mosaic_0001>

<sc_bundles>
// kernel: kernel.4.cloned.1.call-start
scs
__scs_entry_jumppad:
0x0: {  	(pc) =	sbr.rel $0x88, $3  }
0x1: {  	(tag) =	ssettag $0x0;
	lr =	simm.s32 $0x1  }
0x2: {  	[smem:$0x3F9F] =	sst lr;
	_ =	strace $0xD0000000  }
0x3: {  	_ = 	snop  }
0x4: {  	_ = 	snop  }
0x5: {  	_ = 	snop  }
0x6: {  	_ = 	snop  }
0x7: {  	_ = 	snop  }
__scs_overlays_trampoline_lowered:
0x8: {  	[smem:$0x3FAE] =	sst s0  }
0x9: {  	[smem:$0x3FAF] =	sst s1  }
0xa: {  	[smem:$0x3FB0] =	sst s2  }
0xb: {  	[smem:$0x3FB1] =	sst s3  }
0xc: {  	[smem:$0x3FB2] =	sst s4  }
0xd: {  	[smem:$0x3FB3] =	sst s5  }
0xe: {  	[smem:$0x3FB4] =	sst s6  }
0xf: {  	[smem:$0x3FB5] =	sst s7  }
0x10: {  	[smem:$0x3FB6] =	sst s8  }
0x11: {  	[smem:$0x3FB7] =	sst s9;
	s0 =	simm.s32 @!p0 $0x0  }
0x12: {  	s1 =	sld [smem:$0x3F9D];
	s0 =	simm.s32 @p0 $0x1  }
0x13: {  	[smem:$0x3FB8] =	sst s0;
	s0 =	simm.s32 @!p1 $0x0  }
0x14: {  	s2 =	sld [smem:$0x3F9C];
	s0 =	simm.s32 @p1 $0x1  }
0x15: {  	[smem:$0x3FB9] =	sst s0;
	s0 =	simm.s32 @!p2 $0x0  }
0x16: {  	s3 =	sld [smem:$0x3FDB];
	s0 =	simm.s32 @p2 $0x1  }
0x17: {  	s4 =	simm.s32 $0x1BF5;
	[smem:$0x3FBB] =	sst s0  }
0x18: {  	s0 =	sld [smem:$0x3F9E];
	_ =	swait.ge [sflag:s4], $0x0  }
0x19: {  	s7 =	sld [smem:$0x3F9F]  }
0x1a: {  	s8 =	sadd.s32 $0xFFFFE003, lr  }
0x1b: {  	s9 =	sadd.s32 $0xFFFFFEF7, lr;
	s5 =	simm.s32 $0xFFFFFFFF;
	p2 =	slt.u32 s8, $0xFFFFF086  }
0x1c: {  	p1 =	slt.u32 s9, $0xF7A;
	s5 =	simm.s32 @!p2 $0x0  }
0x1d: {  	s5 =	simm.s32 @p1 $0x1;
	p0 =	seq.s32 s7, s2  }
0x1e: {  	s7 =	smul.u32 @!p0 $0xF7A, s2;
	p2 =	seq.s32 @!p0 s5, $0x0  }
0x1f: {  	s9 =	smul.u32 $0xF7A, s1;
	s8 =	simm.s32 @!p0 $0x1BF5;
	p2 =	por !p2, p0  }
0x20: {  	[sflag:s8] =	ssyncset.s32 @!p0 $0xFFFFF086;
	s6 =	sadd.s32 @!p0 s3, s7;
	s7 =	simm.s32 @!p0 $0x108  }
0x21: {  	s3 =	sadd.s32 s3, s9;
	s6 =	sadd.s32 @!p0 $0x88, s6;
	s7 =	simm.s32 @p2 $0x1082  }
0x22: {  	[simem:s7], [sflag:s8] =	dma.local @!p0 [hbm:s6], $0xF7A  }
0x23: {  	s9 =	sor.u32 $0xD0000000, s2;
	s6 =	simm.s32 $0x108;
	_ =	swait.ge @!p0 [sflag:s8], $0x0  }
0x24: {  	s3 =	sadd.s32 $0x88, s3;
	s6 =	simm.s32 @!p1 $0x1082;
	[sflag:s4] =	ssyncset.s32 $0xFFFFF086  }
0x25: {  	[simem:s6], [sflag:s4] =	dma.local [hbm:s3], $0xF7A  }
0x26: {  	[smem:$0x3F9F] =	sst s1;
	(tag) =	ssettag s2;
	_ =	strace s9  }
0x27: {  	s1 =	sld [smem:$0x3FAF]  }
0x28: {  	s2 =	sld [smem:$0x3FB0]  }
0x29: {  	s4 =	sld [smem:$0x3FB2]  }
0x2a: {  	p0 =	seq.s32 s5, $0x0;
	s5 =	sld [smem:$0x3FB3]  }
0x2b: {  	s6 =	sld [smem:$0x3FB4]  }
0x2c: {  	s7 =	sld [smem:$0x3FB5]  }
0x2d: {  	s3 =	simm.s32 $0x108;
	s8 =	sld [smem:$0x3FB6]  }
0x2e: {  	s3 =	simm.s32 @!p0 $0x1082;
	s9 =	sld [smem:$0x3FB7]  }
0x2f: {  	lr =	sadd.s32 s0, s3;
	s0 =	sld [smem:$0x3FAE]  }
0x30: {  	s3 =	sld [smem:$0x3FB1]  }
0x31: {  	[smem:$0x3FBA] =	sst s10  }
0x32: {  	s10 =	sld [smem:$0x3FB8];
	_ =	sdelay $0x3  }
0x33: {  	p0 =	seq.s32 s10, $0x1;
	s10 =	sld [smem:$0x3FBA];
	_ =	sdelay $0x3  }
0x34: {  	[smem:$0x3FBA] =	sst s10  }
0x35: {  	s10 =	sld [smem:$0x3FB9];
	_ =	sdelay $0x3  }
0x36: {  	p1 =	seq.s32 s10, $0x1;
	s10 =	sld [smem:$0x3FBA];
	_ =	sdelay $0x3  }
0x37: {  	[smem:$0x3FBA] =	sst s10  }
0x38: {  	s10 =	sld [smem:$0x3FBB]  }
0x39: {  	_ = 	snop;
	(pc) =	sbr.ind lr, $3  }
0x3a: {  	_ = 	snop  }
0x3b: {  	_ = 	snop  }
0x3c: {  	p2 =	seq.s32 s10, $0x1;
	s10 =	sld [smem:$0x3FBA]  }
0x3d: {  	_ =	shalt  }
0x3e: {  	_ =	shalt  }
0x3f: {  	_ =	shalt  }
0x40: {  	_ =	shalt  }
0x41: {  	_ =	shalt  }
0x42: {  	_ =	shalt  }
0x43: {  	_ =	shalt  }
0x44: {  	_ =	shalt  }
0x45: {  	_ =	shalt  }
0x46: {  	_ =	shalt  }
0x47: {  	_ =	shalt  }
0x48: {  	_ =	shalt  }
0x49: {  	_ =	shalt  }
0x4a: {  	_ =	shalt  }
0x4b: {  	_ =	shalt  }
0x4c: {  	_ =	shalt  }
0x4d: {  	_ =	shalt  }
0x4e: {  	_ =	shalt  }
0x4f: {  	_ =	shalt  }
0x50: {  	_ =	shalt  }
0x51: {  	_ =	shalt  }
0x52: {  	_ =	shalt  }
0x53: {  	_ =	shalt  }
0x54: {  	_ =	shalt  }
0x55: {  	_ =	shalt  }
0x56: {  	_ =	shalt  }
0x57: {  	_ =	shalt  }
0x58: {  	_ =	shalt  }
0x59: {  	_ =	shalt  }
0x5a: {  	_ =	shalt  }
0x5b: {  	_ =	shalt  }
0x5c: {  	_ =	shalt  }
0x5d: {  	_ =	shalt  }
0x5e: {  	_ =	shalt  }
0x5f: {  	_ =	shalt  }
0x60: {  	_ =	shalt  }
0x61: {  	_ =	shalt  }
0x62: {  	_ =	shalt  }
0x63: {  	_ =	shalt  }
0x64: {  	_ =	shalt  }
0x65: {  	_ =	shalt  }
0x66: {  	_ =	shalt  }
0x67: {  	_ =	shalt  }
0x68: {  	_ =	shalt  }
0x69: {  	_ =	shalt  }
0x6a: {  	_ =	shalt  }
0x6b: {  	_ =	shalt  }
0x6c: {  	_ =	shalt  }
0x6d: {  	_ =	shalt  }
0x6e: {  	_ =	shalt  }
0x6f: {  	_ =	shalt  }
0x70: {  	_ =	shalt  }
0x71: {  	_ =	shalt  }
0x72: {  	_ =	shalt  }
0x73: {  	_ =	shalt  }
0x74: {  	_ =	shalt  }
0x75: {  	_ =	shalt  }
0x76: {  	_ =	shalt  }
0x77: {  	_ =	shalt  }
0x78: {  	_ =	shalt  }
0x79: {  	_ =	shalt  }
0x7a: {  	_ =	shalt  }
0x7b: {  	_ =	shalt  }
0x7c: {  	_ =	shalt  }
0x7d: {  	_ =	shalt  }
0x7e: {  	_ =	shalt  }
0x7f: {  	_ =	shalt  }
0x80: {  	_ =	shalt  }
0x81: {  	_ =	shalt  }
0x82: {  	_ =	shalt  }
0x83: {  	_ =	shalt  }
0x84: {  	_ =	shalt  }
0x85: {  	_ =	shalt  }
0x86: {  	_ =	shalt  }
0x87: {  	_ =	shalt  }
.Lfunc_end0:
.L_simem_size_0:
called_computation_lowered:
.L_overlay_start_0:
0x88: {  	s2 =	sld [smem:$0x3FD9]  }
0x89: {  	s3 =	sld [smem:$0x3FFE];
	_ =	sdelay $0x1  }
0x8a: {  	s1 =	srdreg.scid  }
0x8b: {  	s0 =	sand.u32 $0x1, s1  }
0x8c: {  	s14 =	sshll.u32 s0, $0xA;
	s2 =	sadd.s32 s3, s2  }
0x8d: {  	s2 =	sadd.s32 s2, s14  }
0x8e: {  	[smem:$0x3FC6] =	sst s2  }
0x8f: {  	_ = 	snop  }
0x90: {  	s2 =	sld [smem:$0x3FD0];
	_ =	sdelay $0x2  }
0x91: {  	s4 =	simm.s32 $0xA;
	s5 =	simm.s32 $0x10;
	s15 =	sld [smem:$0x3FC8]  }
0x92: {  	[smem:s5], [sflag:s4] =	dma.local [hbm:s2], $0x1  }
0x93: {  	_ =	swait.eq [sflag:s4], $0x1  }
0x94: {  	[sflag:s4] =	ssyncset.done $0x0  }
0x95: {  	s16 =	sld [smem:$0x10];
	[sflag:s4] =	ssyncadd.s32 $0xFFFFFFFF  }
0x96: {  	s17 =	sld [smem:$0x11];
	(tm) =	ssettm $0x1  }
0x97: {  	s18 =	sld [smem:$0x3FFB];
	_ =	sdelay $0x3  }
0x98: {  	_ =	strace s18  }
0x99: {  	s5 =	sld [smem:$0x3FFC];
	_ =	sdelay $0x3  }
0x9a: {  	_ =	strace s5  }
0x9b: {  	s5 =	sld [smem:$0x3FFD];
	_ =	sdelay $0x3  }
0x9c: {  	_ =	strace s5  }
0x9d: {  	_ =	strace $0x8FFFFFFF  }
0x9e: {  	s19 =	sld [smem:$0x3FDB];
	_ =	sdelay $0x1  }
0x9f: {  	s6 =	simm.s32 $_scs_section_size  }
0xa0: {  	s7 =	simm.s32 $_size__tile_overlayer_lowered;
	s8 =	simm.s32 $_tile_overlayer_lowered  }
0xa1: {  	s22 =	simm.s32 $0x1BFF;
	s21 =	sshll.u32 s8, $0x1;
	s5 =	sadd.s32 s6, s19  }
0xa2: {  	s9 =	simm.s32 $0x0;
	s20 =	sshll.u32 s7, $0x1;
	s7 =	sadd.s32 s21, s5  }
0xa3: {  	[timem:s9], [sflag:s22] =	dma.local [hbm:s7], s20  }
0xa4: {  	_ =	swait.ge [sflag:s22], s20  }
0xa5: {  	s6 =	ssub.s32 $0x0, s20;
	[sflag:s22] =	ssyncset.done $0x0  }
0xa6: {  	[sflag:s22] =	ssyncadd.s32 s6;
	_ =	sdelay $0x1  }
0xa7: {  	s23 =	simm.s32 $0x1B8B  }
0xa8: {  	_ =	swait.ge [sflag:s23], $0x1  }
0xa9: {  	[sflag:s23] =	ssyncset.done $0x0  }
0xaa: {  	s25 =	simm.s32 $0x1B8E;
	s24 =	sld [smem:$0x3FFE];
	[sflag:s23] =	ssyncadd.s32 $0xFFFFFFFF  }
0xab: {  	s26 =	simm.s32 $execute0_lowered;
	[smem:$0x3FD2] =	sst s25  }
0xac: {  	s7 =	sshll.u32 s26, $0x1;
	_ =	strace $0x80000046;
	[dreg:$0x1] =	wrdreg $0xFFFFFFFF  }
0xad: {  	s28 =	simm.s32 $_size_execute0_lowered;
	s5 =	sadd.s32 s5, s7;
	[dreg:$0x0] =	wrdreg $0x0  }
0xae: {  	s7 =	sshll.u32 s28, $0x1;
	[dreg:$0x2] =	wrdreg s5  }
0xaf: {  	[dreg:$0x3] =	wrdreg s7  }
0xb0: {  	[dreg:$0x4] =	wrdreg $0xC0  }
0xb1: {  	_ =	task [dreg:s9], $0x5FFFF  }
0xb2: {  	[dreg:$0x1] =	wrdreg $0xFFFFFFFF  }
0xb3: {  	[dreg:$0x0] =	wrdreg $0x60  }
0xb4: {  	[dreg:$0x2] =	wrdreg s16  }
0xb5: {  	[dreg:$0x3] =	wrdreg s15  }
0xb6: {  	[dreg:$0x4] =	wrdreg s17  }
0xb7: {  	[dreg:$0x5] =	wrdreg s24  }
0xb8: {  	[dreg:$0x6] =	wrdreg $0x9  }
0xb9: {  	_ =	task.clear_ibuf [dreg:s9], $0x7FFFF;
	_ =	strace $0x90000046  }
0xba: {  	s29 =	simm.s32 $0x9;
	_ =	strace $0x80000048  }
0xbb: {  	_ =	swait.ge [sflag:s29], $0x1  }
0xbc: {  	[sflag:s29] =	ssyncadd.s32 $0xFFFFFFFF  }
0xbd: {  	_ =	strace $0x90000048  }
0xbe: {  	_ =	sfence  }
0xbf: {  	s30 =	sld [smem:$0x0];
	_ =	sdelay $0x2  }
0xc0: {  	s31 =	sshll.u32 s1, $0xD;
	s1 =	sshrl.u32 s1, $0x2  }
0xc1: {  	s3 =	sand.u32 $0x4000, s31;
	s1 =	sadd.s32 s1, s30  }
0xc2: {  	s0 =	sor.u32 s3, s0;
	s1 =	sshll.u32 s1, $0x11  }
0xc3: {  	s0 =	sor.u32 s1, s0  }
0xc4: {  	s0 =	sadd.s32 $0x8F2B, s0  }
0xc5: {  	[sflag:s0] =	ssyncadd.remote.s32 $0x1  }
0xc6: {  	_ =	sfence.sel $0xFFFF  }
0xc7: {  	[dreg:$0x0] =	wrdreg $0xFFFFFFFF;
	(pc) =	sbr.abs _section_cstart, $3  }
0xc8: {  	[dreg:$0x1] =	wrdreg $0xFFFFFFFF  }
0xc9: {  	_ =	task.clear_ibuf [dreg:s9], $0x2FFFF;
	_ =	strace $0x9FFFFFFF  }
0xca: {  	(tm) =	ssettm $0x7FFFFFFF  }
0xcb: {  	_ =	shalt  }
tec
execute0_lowered:
.L_overlay_start_1:
0x0: {  	(tag) =	ssettag $0x1  }
0x1: {  	s0 =	rddreg [dreg:$0x0]  }
0x2: {  	s1 =	rddreg [dreg:$0x1]  }
0x3: {  	s3 =	rddreg [dreg:$0x2]  }
0x4: {  	s2 =	srdreg.scid;
	s6 =	rddreg [dreg:$0x3]  }
0x5: {  	s7 =	stileid.u32;
	s4 =	simm.s32 $0x0;
	s20 =	simm.s32 $0x1  }
0x6: {  	s21 =	simm.s32 $0x3;
	s22 =	simm.s32 $0x1C700;
	s23 =	simm.s32 $0x2  }
0x7: {  	s24 =	simm.s32 $0x4;
	s25 =	simm.s32 $0x1D700;
	s28 =	simm.s32 $0x6  }
0x8: {  	s29 =	simm.s32 $0x7;
	s30 =	simm.s32 $0x0;
	s2 =	sand.u32 $0x1, s2  }
0x9: {  	s31 =	simm.s32 $0x0;
	[smem:$0x7FF] =	sst s4;
	s5 =	sshll.u32 s2, $0x4  }
0xa: {  	s6 =	sadd.s32 $0xC00, s6;
	s2 =	ssub.s32 $0x2, s2;
	s8 =	sor.u32 s7, s5  }
0xb: {  	_ =	strace $0x80000047;
	s26 =	sshrl.u32 s2, $0x1;
	s5 =	smul.u32 $0x30D40, s8  }
0xc: {  	s2 =	ssub.s32 s2, s26;
	s8 =	smul.u32 $0x30E0, s8;
	s26 =	simm.s32 $0x5  }
0xd: {  	s15 =	smax.u32 s2, $0x1;
	s9 =	sshrl.u32 s5, $0x3;
	s7 =	sadd.s32 $0xFA0, s5  }
0xe: {  	s12 =	sadd.s32 $0x1F40, s5;
	s13 =	sadd.s32 $0x2EE0, s5;
	s14 =	sadd.s32 s3, s8  }
0xf: {  	s10 =	sadd.s32 s0, s9;
	s11 =	sshrl.u32 s7, $0x3;
	s9 =	sadd.s32 s1, s9  }
0x10: {  	v0 =	vimm.f32 $0.0e+00;
	[dreg:$0x5] =	wrdreg s10;
	s10 =	sadd.s32 s0, s11;
	s11 =	sadd.s32 s1, s11  }
.LBB2_1:
0x11: {  	s2 =	rddreg [dreg:$0x5];
	s3 =	simm.s32 $0x18700  }
0x12: {  	[tilespmem:s3], [sflag:$0x1] =	stream.linear.gather [hbm4b:s2+s4], $0xFA0, $0x38;
	[tilespmem:$0x1E700] =	vst v63  }
0x13: {  	s17 =	simm.s32 $0x1A700  }
0x14: {  	[tilespmem:s17], [sflag:$0x3] =	stream.linear.gather [hbm4b:s9+s4], $0xFA0, $0x38;
	[tilespmem:$0x1E700] =	vst v63  }
0x15: {  	s18 =	simm.s32 $0x19700  }
0x16: {  	[tilespmem:s18], [sflag:$0x2] =	stream.linear.gather [hbm4b:s10+s4], $0xFA0, $0x38;
	[tilespmem:$0x1E700] =	vst v63  }
0x17: {  	s19 =	simm.s32 $0x1B700;
	s2 =	simm.s32 $0x0;
	s3 =	simm.s32 $0x200  }
0x18: {  	[tilespmem:s19], [sflag:$0x4] =	stream.linear.gather [hbm4b:s11+s4], $0xFA0, $0x38;
	[tilespmem:$0x1E700] =	vst v63  }
.LBB2_2:
0x19: {  	p0 =	sne.s32 s3, $0x61A00;
	[tilespmem:s2+$0x70] =	vst v0  }
0x1a: {  	[tilespmem:s2+$0x0] =	vst v0  }
0x1b: {  	[tilespmem:s2+$0x10] =	vst v0  }
.Ltmp0:
0x1c: {  	[tilespmem:s2+$0x20] =	vst v0;
	(pc) =	sbr.rel @p0 .LBB2_2-.Ltmp0, $4  }
0x1d: {  	[tilespmem:s2+$0x30] =	vst v0  }
0x1e: {  	[tilespmem:s2+$0x40] =	vst v0  }
0x1f: {  	[tilespmem:s2+$0x50] =	vst v0  }
0x20: {  	[tilespmem:s2+$0x60] =	vst v0;
	s2 =	sshra.s32 s3, $0x2;
	s3 =	sadd.s32 $0x200, s3  }
0x21: {  	[tilespmem:s2+$0x70] =	vst v0  }
0x22: {  	[tilespmem:s2+$0x0] =	vst v0  }
0x23: {  	[tilespmem:s2+$0x10] =	vst v0  }
0x24: {  	[tilespmem:s2+$0x20] =	vst v0  }
0x25: {  	[tilespmem:s2+$0x30] =	vst v0  }
0x26: {  	[tilespmem:s2+$0x40] =	vst v0  }
0x27: {  	[tilespmem:s2+$0x50] =	vst v0  }
0x28: {  	[tilespmem:s2+$0x60] =	vst v0;
	s2 =	simm.s32 $0x0  }
.LBB2_4:
0x29: {  	_ =	swait.ge [sflag:s20], $0xFA0  }
0x2a: {  	[sflag:s20] =	ssyncset.done $0x0  }
0x2b: {  	[sflag:s20] =	ssyncadd.s32 $0xFFFFF060  }
0x2c: {  	_ =	swait.ge [sflag:s21], $0xFA0  }
0x2d: {  	p1 =	seq.s32 s2, $0x0;
	[sflag:s21] =	ssyncset.done $0x0  }
0x2e: {  	s3 =	simm.s32 @!p1 $0x5;
	[sflag:s21] =	ssyncadd.s32 $0xFFFFF060  }
0x2f: {  	_ =	swait.ge @!p1 [sflag:s3], $0xFA0  }
0x30: {  	[sflag:s3] =	ssyncset.done @!p1 $0x0  }
0x31: {  	[sflag:s3] =	ssyncadd.s32 @!p1 $0xFFFFF060;
	s3 =	simm.s32 $0x1A750  }
0x32: {  	v2 =	vld [tilespmem:s3+$0xFFFFFFF0]  }
0x33: {  	v3 =	vld [tilespmem:s3+$0xFFFFFFE0]  }
0x34: {  	v4 =	vld [tilespmem:s3+$0xFFFFFFD0]  }
0x35: {  	v5 =	vld [tilespmem:s3+$0xFFFFFFC0]  }
0x36: {  	v6 =	vld [tilespmem:s3+$0x0]  }
0x37: {  	s16 =	simm.s32 $0x18750;
	v7 =	vld [tilespmem:s3+$0xFFFFFFB0]  }
0x38: {  	v8 =	vld [tilespmem:s16+$0xFFFFFFB0]  }
0x39: {  	v1 =	vld [tilespmem:s16+$0x40];
	v4 =	vmul.f32 $1.442695020e+00, v4  }
0x3a: {  	v9 =	vld [tilespmem:s3+$0x20];
	v2 =	vmul.f32 $1.442695020e+00, v2  }
0x3b: {  	s8 =	sand.u32 $0x1FE0, s31;
	v10 =	vld [tilespmem:s3+$0x10];
	v5 =	vmul.f32 $1.442695020e+00, v5;
	(erf) = vpow2.f32 v4  }
0x3c: {  	v4 =	vmul.f32 $1.442695020e+00, v7;
	v7 =	vld [tilespmem:s8+$0x1A780];
	(erf) = vpow2.f32 v2  }
0x3d: {  	v2 =	vmul.f32 $1.442695020e+00, v3;
	(erf) = vpow2.f32 v5;
	v5 =	vld [tilespmem:s3+$0x40]  }
0x3e: {  	v11 =	vld [tilespmem:s16+$0x20];
	v3 =	vmul.f32 $1.442695020e+00, v6;
	(erf) = vpow2.f32 v4  }
0x3f: {  	v62 =	vld [tilespmem:s16+$0x0];
	v4 =	vmul.f32 $1.442695020e+00, v9;
	(erf) = vpow2.f32 v2  }
0x40: {  	v63 =	vld [tilespmem:s16+$0xFFFFFFF0];
	v2 =	vmul.f32 $1.442695020e+00, v10;
	(erf) = vpow2.f32 v3  }
0x41: {  	v12 =	vld [tilespmem:s16+$0xFFFFFFD0];
	v3 =	vmul.f32 $1.442695020e+00, v7;
	(erf) = vpow2.f32 v4  }
0x42: {  	v6 =	vld [tilespmem:s16+$0x10];
	(erf) = vpow2.f32 v2;
	v4 =	vmul.f32 $1.442695020e+00, v5  }
0x43: {  	v7 =	vld [tilespmem:s16+$0xFFFFFFE0];
	(erf) = vpow2.f32 v3  }
0x44: {  	s17 =	simm.s32 $0x1C750;
	v5 =	vld [tilespmem:s16+$0xFFFFFFC0];
	v13 =	vpop (erf);
	(erf) = vpow2.f32 v4  }
0x45: {  	v2 =	vld [tilespmem:s8+$0x18780];
	v14 =	vpop (erf);
	[tilespmem:s17+$0xFFFFFFD0] =	vst v13  }
0x46: {  	v15 =	vpop (erf);
	[tilespmem:s17+$0xFFFFFFF0] =	vst v14  }
0x47: {  	[tilespmem:s17+$0xFFFFFFC0] =	vst v15;
	v16 =	vpop (erf)  }
0x48: {  	[tilespmem:s17+$0xFFFFFFB0] =	vst v16;
	v17 =	vpop (erf)  }
0x49: {  	v18 =	vpop (erf);
	[tilespmem:s17+$0xFFFFFFE0] =	vst v17  }
0x4a: {  	[tilespmem:s17+$0x0] =	vst v18;
	v19 =	vpop (erf)  }
0x4b: {  	v20 =	vpop (erf);
	[tilespmem:s17+$0x20] =	vst v19  }
0x4c: {  	[tilespmem:s17+$0x10] =	vst v20;
	v3 =	vpop (erf)  }
0x4d: {  	[tilespmem:s8+$0x1C780] =	vst v3;
	v4 =	vpop (erf)  }
0x4e: {  	[tilespmem:s17+$0x40] =	vst v4  }
0x4f: {  	[tilespmem:v8+s4+$0x0] =	vst.idx.add.f32.msk $0xffff, v16  }
0x50: {  	[tilespmem:v5+s4+$0x0] =	vst.idx.add.f32.msk $0xffff, v15  }
0x51: {  	[tilespmem:v12+s4+$0x0] =	vst.idx.add.f32.msk $0xffff, v13  }
0x52: {  	[tilespmem:v7+s4+$0x0] =	vst.idx.add.f32.msk $0xffff, v17  }
0x53: {  	[tilespmem:v63+s4+$0x0] =	vst.idx.add.f32.msk $0xffff, v14  }
0x54: {  	[tilespmem:v62+s4+$0x0] =	vst.idx.add.f32.msk $0xffff, v18  }
0x55: {  	[tilespmem:v6+s4+$0x0] =	vst.idx.add.f32.msk $0xffff, v20  }
0x56: {  	s18 =	simm.s32 $0xA0;
	[tilespmem:v11+s4+$0x0] =	vst.idx.add.f32.msk $0xffff, v19  }
.LBB2_5:
0x57: {  	[tilespmem:v2+s4+$0x0] =	vst.idx.add.f32.msk $0xffff, v3;
	s17 =	sadd.s32 $0xA0, s17;
	s3 =	sadd.s32 $0xA0, s3;
	s16 =	sadd.s32 $0xA0, s16  }
0x58: {  	p0 =	sne.s32 s18, $0xF00;
	s8 =	smov.u32 s18;
	s18 =	sadd.s32 $0xA0, s18;
	[tilespmem:v1+s4+$0x0] =	vst.idx.add.f32.msk $0xffff, v4  }
0x59: {  	v2 =	vld [tilespmem:s3+$0xFFFFFFF0]  }
0x5a: {  	v3 =	vld [tilespmem:s3+$0xFFFFFFE0]  }
0x5b: {  	v4 =	vld [tilespmem:s3+$0xFFFFFFD0]  }
0x5c: {  	v5 =	vld [tilespmem:s3+$0xFFFFFFC0]  }
0x5d: {  	v6 =	vld [tilespmem:s3+$0x0]  }
0x5e: {  	v7 =	vld [tilespmem:s3+$0xFFFFFFB0]  }
0x5f: {  	v8 =	vld [tilespmem:s16+$0xFFFFFFB0]  }
0x60: {  	v3 =	vmul.f32 $1.442695020e+00, v3;
	v1 =	vld [tilespmem:s16+$0x40];
	v4 =	vmul.f32 $1.442695020e+00, v4  }
0x61: {  	v2 =	vmul.f32 $1.442695020e+00, v2;
	v5 =	vmul.f32 $1.442695020e+00, v5;
	v9 =	vld [tilespmem:s3+$0x20]  }
0x62: {  	s19 =	sand.u32 $0x1FE0, s8;
	v6 =	vmul.f32 $1.442695020e+00, v6;
	v10 =	vld [tilespmem:s3+$0x10];
	(erf) = vpow2.f32 v4  }
0x63: {  	v4 =	vmul.f32 $1.442695020e+00, v7;
	v7 =	vld [tilespmem:s19+$0x1A780];
	(erf) = vpow2.f32 v2  }
0x64: {  	v11 =	vld [tilespmem:s16+$0x20];
	(erf) = vpow2.f32 v5  }
0x65: {  	v2 =	vld [tilespmem:s3+$0x40];
	(erf) = vpow2.f32 v4  }
0x66: {  	v5 =	vld [tilespmem:s16+$0x10];
	v4 =	vmul.f32 $1.442695020e+00, v9;
	(erf) = vpow2.f32 v3  }
0x67: {  	v9 =	vld [tilespmem:s16+$0x0];
	v3 =	vmul.f32 $1.442695020e+00, v10;
	(erf) = vpow2.f32 v6  }
0x68: {  	v6 =	vld [tilespmem:s16+$0xFFFFFFF0];
	v7 =	vmul.f32 $1.442695020e+00, v7;
	(erf) = vpow2.f32 v4  }
0x69: {  	v10 =	vld [tilespmem:s16+$0xFFFFFFE0];
	(erf) = vpow2.f32 v3  }
0x6a: {  	v12 =	vld [tilespmem:s16+$0xFFFFFFD0];
	v3 =	vmul.f32 $1.442695020e+00, v2;
	(erf) = vpow2.f32 v7  }
0x6b: {  	v7 =	vld [tilespmem:s16+$0xFFFFFFC0];
	v13 =	vpop (erf)  }
0x6c: {  	v2 =	vld [tilespmem:s19+$0x18780];
	v14 =	vpop (erf);
	(erf) = vpow2.f32 v3  }
0x6d: {  	[tilespmem:s17+$0xFFFFFFD0] =	vst v13;
	v15 =	vpop (erf)  }
0x6e: {  	[tilespmem:s17+$0xFFFFFFC0] =	vst v15;
	v16 =	vpop (erf)  }
0x6f: {  	[tilespmem:s17+$0xFFFFFFB0] =	vst v16;
	v17 =	vpop (erf)  }
0x70: {  	[tilespmem:s17+$0xFFFFFFF0] =	vst v14;
	v18 =	vpop (erf)  }
0x71: {  	[tilespmem:s17+$0x0] =	vst v18;
	v19 =	vpop (erf)  }
0x72: {  	[tilespmem:s17+$0xFFFFFFE0] =	vst v17;
	v20 =	vpop (erf)  }
0x73: {  	[tilespmem:s17+$0x10] =	vst v20;
	v3 =	vpop (erf)  }
0x74: {  	[tilespmem:s17+$0x20] =	vst v19  }
0x75: {  	[tilespmem:s19+$0x1C780] =	vst v3;
	v4 =	vpop (erf)  }
0x76: {  	[tilespmem:s17+$0x40] =	vst v4  }
0x77: {  	[tilespmem:v8+s4+$0x0] =	vst.idx.add.f32.msk $0xffff, v16  }
0x78: {  	[tilespmem:v7+s4+$0x0] =	vst.idx.add.f32.msk $0xffff, v15  }
0x79: {  	[tilespmem:v12+s4+$0x0] =	vst.idx.add.f32.msk $0xffff, v13  }
.Ltmp1:
0x7a: {  	[tilespmem:v10+s4+$0x0] =	vst.idx.add.f32.msk $0xffff, v17;
	(pc) =	sbr.rel @p0 .LBB2_5-.Ltmp1, $4  }
0x7b: {  	[tilespmem:v6+s4+$0x0] =	vst.idx.add.f32.msk $0xffff, v14  }
0x7c: {  	[tilespmem:v9+s4+$0x0] =	vst.idx.add.f32.msk $0xffff, v18  }
0x7d: {  	[tilespmem:v5+s4+$0x0] =	vst.idx.add.f32.msk $0xffff, v20  }
0x7e: {  	[tilespmem:v11+s4+$0x0] =	vst.idx.add.f32.msk $0xffff, v19  }
0x7f: {  	p0 =	seq.s32 s2, $0x18  }
0x80: {  	s3 =	smul.u32 @!p0 $0x1F40, s2;
	_ =	sdelay $0x1  }
0x81: {  	s8 =	sadd.s32 @!p0 s3, s12  }
0x82: {  	[tilespmem:v2+s4+$0x0] =	vst.idx.add.f32.msk $0xffff, v3;
	s17 =	simm.s32 @!p0 $0x0;
	s8 =	sshrl.u32 @!p0 s8, $0x3  }
0x83: {  	[tilespmem:v1+s4+$0x0] =	vst.idx.add.f32.msk $0xffff, v4;
	s18 =	simm.s32 @!p0 $0x18700;
	s3 =	simm.s32 @p0 $0x2EE00;
	s16 =	sadd.s32 @!p0 s0, s8  }
0x84: {  	[tilespmem:s18], [sflag:$0x1] =	stream.linear.gather @!p0 [hbm4b:s16+s17], $0xFA0, $0x38;
	[tilespmem:$0x1E700] =	vst v63  }
0x85: {  	s8 =	sadd.s32 @!p0 s1, s8;
	s16 =	simm.s32 @!p0 $0x1A700;
	s18 =	sadd.s32 s5, s3  }
0x86: {  	[tilespmem:s16], [sflag:$0x3] =	stream.linear.gather @!p0 [hbm4b:s8+s17], $0xFA0, $0x38;
	[tilespmem:$0x1E700] =	vst v63  }
0x87: {  	s8 =	sshrl.u32 s18, $0x3  }
0x88: {  	s8 =	sadd.s32 s6, s8  }
0x89: {  	[hbm4b:s8+s4] =	stream.linear.scatter [tilespmem:s22], [sflag:$0x5], $0xFA0, $0x38;
	[tilespmem:$0x1E700] =	vst v63  }
0x8a: {  	_ =	swait.ge [sflag:s23], $0xFA0  }
0x8b: {  	[sflag:s23] =	ssyncset.done $0x0  }
0x8c: {  	[sflag:s23] =	ssyncadd.s32 $0xFFFFF060  }
0x8d: {  	_ =	swait.ge [sflag:s24], $0xFA0  }
0x8e: {  	[sflag:s24] =	ssyncset.done $0x0  }
0x8f: {  	s8 =	simm.s32 @!p1 $0x6;
	[sflag:s24] =	ssyncadd.s32 $0xFFFFF060  }
0x90: {  	_ =	swait.ge @!p1 [sflag:s8], $0xFA0  }
0x91: {  	[sflag:s8] =	ssyncset.done @!p1 $0x0  }
0x92: {  	s16 =	simm.s32 $0x1B750;
	[sflag:s8] =	ssyncadd.s32 @!p1 $0xFFFFF060  }
0x93: {  	v2 =	vld [tilespmem:s16+$0xFFFFFFF0]  }
0x94: {  	v3 =	vld [tilespmem:s16+$0xFFFFFFE0]  }
0x95: {  	v4 =	vld [tilespmem:s16+$0xFFFFFFD0]  }
0x96: {  	v5 =	vld [tilespmem:s16+$0xFFFFFFC0]  }
0x97: {  	v6 =	vld [tilespmem:s16+$0x0]  }
0x98: {  	s17 =	simm.s32 $0x19750;
	v7 =	vld [tilespmem:s16+$0xFFFFFFB0]  }
0x99: {  	v8 =	vld [tilespmem:s17+$0xFFFFFFB0]  }
0x9a: {  	v1 =	vld [tilespmem:s17+$0x40];
	v4 =	vmul.f32 $1.442695020e+00, v4  }
0x9b: {  	s19 =	simm.s32 $0x0;
	v9 =	vld [tilespmem:s16+$0x20];
	v2 =	vmul.f32 $1.442695020e+00, v2  }
0x9c: {  	s8 =	sand.u32 $0x1FE0, s19;
	v10 =	vld [tilespmem:s16+$0x10];
	v5 =	vmul.f32 $1.442695020e+00, v5;
	(erf) = vpow2.f32 v4  }
0x9d: {  	v4 =	vmul.f32 $1.442695020e+00, v7;
	v7 =	vld [tilespmem:s8+$0x1B780];
	(erf) = vpow2.f32 v2  }
0x9e: {  	v2 =	vmul.f32 $1.442695020e+00, v3;
	(erf) = vpow2.f32 v5;
	v5 =	vld [tilespmem:s16+$0x40]  }
0x9f: {  	v11 =	vld [tilespmem:s17+$0x20];
	v3 =	vmul.f32 $1.442695020e+00, v6;
	(erf) = vpow2.f32 v4  }
0xa0: {  	v62 =	vld [tilespmem:s17+$0x0];
	v4 =	vmul.f32 $1.442695020e+00, v9;
	(erf) = vpow2.f32 v2  }
0xa1: {  	v63 =	vld [tilespmem:s17+$0xFFFFFFF0];
	v2 =	vmul.f32 $1.442695020e+00, v10;
	(erf) = vpow2.f32 v3  }
0xa2: {  	v12 =	vld [tilespmem:s17+$0xFFFFFFD0];
	v3 =	vmul.f32 $1.442695020e+00, v7;
	(erf) = vpow2.f32 v4  }
0xa3: {  	v6 =	vld [tilespmem:s17+$0x10];
	(erf) = vpow2.f32 v2;
	v4 =	vmul.f32 $1.442695020e+00, v5  }
0xa4: {  	v7 =	vld [tilespmem:s17+$0xFFFFFFE0];
	(erf) = vpow2.f32 v3  }
0xa5: {  	s18 =	simm.s32 $0x1D750;
	v5 =	vld [tilespmem:s17+$0xFFFFFFC0];
	v13 =	vpop (erf);
	(erf) = vpow2.f32 v4  }
0xa6: {  	v2 =	vld [tilespmem:s8+$0x19780];
	v14 =	vpop (erf);
	[tilespmem:s18+$0xFFFFFFD0] =	vst v13  }
0xa7: {  	v15 =	vpop (erf);
	[tilespmem:s18+$0xFFFFFFF0] =	vst v14  }
0xa8: {  	[tilespmem:s18+$0xFFFFFFC0] =	vst v15;
	v16 =	vpop (erf)  }
0xa9: {  	[tilespmem:s18+$0xFFFFFFB0] =	vst v16;
	v17 =	vpop (erf)  }
0xaa: {  	v18 =	vpop (erf);
	[tilespmem:s18+$0xFFFFFFE0] =	vst v17  }
0xab: {  	[tilespmem:s18+$0x0] =	vst v18;
	v19 =	vpop (erf)  }
0xac: {  	v20 =	vpop (erf);
	[tilespmem:s18+$0x20] =	vst v19  }
0xad: {  	[tilespmem:s18+$0x10] =	vst v20;
	v3 =	vpop (erf)  }
0xae: {  	[tilespmem:s8+$0x1D780] =	vst v3;
	v4 =	vpop (erf)  }
0xaf: {  	[tilespmem:s18+$0x40] =	vst v4  }
0xb0: {  	[tilespmem:v8+s4+$0x0] =	vst.idx.add.f32.msk $0xffff, v16  }
0xb1: {  	[tilespmem:v5+s4+$0x0] =	vst.idx.add.f32.msk $0xffff, v15  }
0xb2: {  	[tilespmem:v12+s4+$0x0] =	vst.idx.add.f32.msk $0xffff, v13  }
0xb3: {  	[tilespmem:v7+s4+$0x0] =	vst.idx.add.f32.msk $0xffff, v17  }
0xb4: {  	[tilespmem:v63+s4+$0x0] =	vst.idx.add.f32.msk $0xffff, v14  }
0xb5: {  	[tilespmem:v62+s4+$0x0] =	vst.idx.add.f32.msk $0xffff, v18  }
0xb6: {  	[tilespmem:v6+s4+$0x0] =	vst.idx.add.f32.msk $0xffff, v20  }
0xb7: {  	s19 =	simm.s32 $0xA0;
	[tilespmem:v11+s4+$0x0] =	vst.idx.add.f32.msk $0xffff, v19  }
.LBB2_7:
0xb8: {  	[tilespmem:v2+s4+$0x0] =	vst.idx.add.f32.msk $0xffff, v3;
	s18 =	sadd.s32 $0xA0, s18;
	s16 =	sadd.s32 $0xA0, s16;
	s17 =	sadd.s32 $0xA0, s17  }
0xb9: {  	p1 =	sne.s32 s19, $0xF00;
	s8 =	smov.u32 s19;
	s19 =	sadd.s32 $0xA0, s19;
	[tilespmem:v1+s4+$0x0] =	vst.idx.add.f32.msk $0xffff, v4  }
0xba: {  	v2 =	vld [tilespmem:s16+$0xFFFFFFF0]  }
0xbb: {  	v3 =	vld [tilespmem:s16+$0xFFFFFFE0]  }
0xbc: {  	v4 =	vld [tilespmem:s16+$0xFFFFFFD0]  }
0xbd: {  	v5 =	vld [tilespmem:s16+$0xFFFFFFC0]  }
0xbe: {  	v6 =	vld [tilespmem:s16+$0x0]  }
0xbf: {  	v7 =	vld [tilespmem:s16+$0xFFFFFFB0]  }
0xc0: {  	v8 =	vld [tilespmem:s17+$0xFFFFFFB0]  }
0xc1: {  	v3 =	vmul.f32 $1.442695020e+00, v3;
	v1 =	vld [tilespmem:s17+$0x40];
	v4 =	vmul.f32 $1.442695020e+00, v4  }
0xc2: {  	v2 =	vmul.f32 $1.442695020e+00, v2;
	v5 =	vmul.f32 $1.442695020e+00, v5;
	v9 =	vld [tilespmem:s16+$0x20]  }
0xc3: {  	s8 =	sand.u32 $0x1FE0, s8;
	v6 =	vmul.f32 $1.442695020e+00, v6;
	v10 =	vld [tilespmem:s16+$0x10];
	(erf) = vpow2.f32 v4  }
0xc4: {  	v4 =	vmul.f32 $1.442695020e+00, v7;
	v7 =	vld [tilespmem:s8+$0x1B780];
	(erf) = vpow2.f32 v2  }
0xc5: {  	v11 =	vld [tilespmem:s17+$0x20];
	(erf) = vpow2.f32 v5  }
0xc6: {  	v2 =	vld [tilespmem:s16+$0x40];
	(erf) = vpow2.f32 v4  }
0xc7: {  	v5 =	vld [tilespmem:s17+$0x10];
	v4 =	vmul.f32 $1.442695020e+00, v9;
	(erf) = vpow2.f32 v3  }
0xc8: {  	v9 =	vld [tilespmem:s17+$0x0];
	v3 =	vmul.f32 $1.442695020e+00, v10;
	(erf) = vpow2.f32 v6  }
0xc9: {  	v6 =	vld [tilespmem:s17+$0xFFFFFFF0];
	v7 =	vmul.f32 $1.442695020e+00, v7;
	(erf) = vpow2.f32 v4  }
0xca: {  	v10 =	vld [tilespmem:s17+$0xFFFFFFE0];
	(erf) = vpow2.f32 v3  }
0xcb: {  	v12 =	vld [tilespmem:s17+$0xFFFFFFD0];
	v3 =	vmul.f32 $1.442695020e+00, v2;
	(erf) = vpow2.f32 v7  }
0xcc: {  	v7 =	vld [tilespmem:s17+$0xFFFFFFC0];
	v13 =	vpop (erf)  }
0xcd: {  	v2 =	vld [tilespmem:s8+$0x19780];
	v14 =	vpop (erf);
	(erf) = vpow2.f32 v3  }
0xce: {  	[tilespmem:s18+$0xFFFFFFD0] =	vst v13;
	v15 =	vpop (erf)  }
0xcf: {  	[tilespmem:s18+$0xFFFFFFC0] =	vst v15;
	v16 =	vpop (erf)  }
0xd0: {  	[tilespmem:s18+$0xFFFFFFB0] =	vst v16;
	v17 =	vpop (erf)  }
0xd1: {  	[tilespmem:s18+$0xFFFFFFF0] =	vst v14;
	v18 =	vpop (erf)  }
0xd2: {  	[tilespmem:s18+$0x0] =	vst v18;
	v19 =	vpop (erf)  }
0xd3: {  	[tilespmem:s18+$0xFFFFFFE0] =	vst v17;
	v20 =	vpop (erf)  }
0xd4: {  	[tilespmem:s18+$0x10] =	vst v20;
	v3 =	vpop (erf)  }
0xd5: {  	[tilespmem:s18+$0x20] =	vst v19  }
0xd6: {  	[tilespmem:s8+$0x1D780] =	vst v3;
	v4 =	vpop (erf)  }
0xd7: {  	[tilespmem:s18+$0x40] =	vst v4  }
0xd8: {  	[tilespmem:v8+s4+$0x0] =	vst.idx.add.f32.msk $0xffff, v16  }
0xd9: {  	[tilespmem:v7+s4+$0x0] =	vst.idx.add.f32.msk $0xffff, v15  }
0xda: {  	[tilespmem:v12+s4+$0x0] =	vst.idx.add.f32.msk $0xffff, v13  }
.Ltmp2:
0xdb: {  	[tilespmem:v10+s4+$0x0] =	vst.idx.add.f32.msk $0xffff, v17;
	(pc) =	sbr.rel @p1 .LBB2_7-.Ltmp2, $4  }
0xdc: {  	[tilespmem:v6+s4+$0x0] =	vst.idx.add.f32.msk $0xffff, v14  }
0xdd: {  	[tilespmem:v9+s4+$0x0] =	vst.idx.add.f32.msk $0xffff, v18  }
0xde: {  	[tilespmem:v5+s4+$0x0] =	vst.idx.add.f32.msk $0xffff, v20  }
0xdf: {  	[tilespmem:v11+s4+$0x0] =	vst.idx.add.f32.msk $0xffff, v19  }
0xe0: {  	_ =	sdelay $0x2  }
0xe1: {  	s8 =	sadd.s32 @!p0 s3, s13  }
0xe2: {  	[tilespmem:v2+s4+$0x0] =	vst.idx.add.f32.msk $0xffff, v3;
	s8 =	sshrl.u32 @!p0 s8, $0x3  }
0xe3: {  	s17 =	simm.s32 @!p0 $0x0;
	s18 =	simm.s32 @!p0 $0x19700;
	[tilespmem:v1+s4+$0x0] =	vst.idx.add.f32.msk $0xffff, v4;
	s16 =	sadd.s32 @!p0 s0, s8  }
0xe4: {  	[tilespmem:s18], [sflag:$0x2] =	stream.linear.gather @!p0 [hbm4b:s16+s17], $0xFA0, $0x38;
	[tilespmem:$0x1E700] =	vst v63  }
0xe5: {  	s2 =	sadd.s32 $0x1, s2;
	s8 =	sadd.s32 @!p0 s1, s8;
	s16 =	simm.s32 @!p0 $0x1B700  }
0xe6: {  	[tilespmem:s16], [sflag:$0x4] =	stream.linear.gather @!p0 [hbm4b:s8+s17], $0xFA0, $0x38;
	[tilespmem:$0x1E700] =	vst v63  }
0xe7: {  	p0 =	sne.s32 s2, $0x19  }
.Ltmp3:
0xe8: {  	_ = 	snop;
	(pc) =	sbr.rel @p0 .LBB2_4-.Ltmp3, $4  }
0xe9: {  	s19 =	sadd.s32 s3, s7  }
0xea: {  	s3 =	sshrl.u32 s19, $0x3  }
0xeb: {  	s3 =	sadd.s32 s6, s3  }
0xec: {  	[hbm4b:s3+s4] =	stream.linear.scatter [tilespmem:s25], [sflag:$0x6], $0xFA0, $0x38;
	[tilespmem:$0x1E700] =	vst v63  }
0xed: {  	_ =	swait.ge [sflag:s26], $0xFA0  }
0xee: {  	[sflag:s26] =	ssyncset.done $0x0  }
0xef: {  	[sflag:s26] =	ssyncadd.s32 $0xFFFFF060  }
0xf0: {  	s30 =	sadd.s32 $0x1, s30;
	_ =	swait.ge [sflag:s28], $0xFA0  }
0xf1: {  	p0 =	sne.s32 s30, s15;
	[sflag:s28] =	ssyncset.done $0x0  }
.Ltmp4:
0xf2: {  	[sflag:s28] =	ssyncadd.s32 $0xFFFFF060;
	(pc) =	sbr.rel @p0 .LBB2_1-.Ltmp4, $4  }
0xf3: {  	[hbm4b:s14+s4] =	stream.linear.scatter [tilespmem:s4], [sflag:$0x7], $0x18700, $0x38;
	[tilespmem:$0x1E700] =	vst v63  }
0xf4: {  	_ =	swait.ge [sflag:s29], $0x18700  }
0xf5: {  	[sflag:s29] =	ssyncset.done $0x0  }
0xf6: {  	[sflag:s29] =	ssyncadd.s32 $0xFFFE7900  }
0xf7: {  	_ =	sfence.sel $0x180000  }
0xf8: {  	[bflag:$0x0] =	sbarrier.arrive $0xFFFF  }
0xf9: {  	_ =	strace $0x90000047  }
0xfa: {  	s0 =	stileid.u32;
	[bflag:$0x2] =	sbarrier.arrive $0xFFFF  }
0xfb: {  	p0 =	sne.s32 s0, $0x0;
	s0 =	rddreg [dreg:$0x4]  }
0xfc: {  	s0 =	sadd.s32 @!p0 $0x100000, s0  }
0xfd: {  	[sflag:s0] =	ssyncadd.tile.s32 @!p0 $0x1;
	_ =	shalt  }
.Lfunc_end2:
_tile_overlayer_lowered:
.L_overlay_start_2:
0xfe: {  	(tag) =	ssettag $0x2  }
0xff: {  	s0 =	rddreg [dreg:$0x0];
	s2 =	stileid.u32  }
0x100: {  	s1 =	rddreg [dreg:$0x1];
	p0 =	sne.s32 s2, $0x0  }
0x101: {  	s3 =	rddreg [dreg:$0x2];
	[bflag:$0x3] =	sbarrier.arrive $0xFFFF;
	s2 =	simm.s32 @!p0 $0x1C07  }
0x102: {  	[timem:s3], [sflag:s2] =	dma.local @!p0 [hbm:s0], s1  }
0x103: {  	s0 =	simm.s32 @!p0 $0x7  }
0x104: {  	_ =	swait.ge @!p0 [sflag:s0], s1  }
0x105: {  	s1 =	ssub.s32 @!p0 $0x0, s1;
	[sflag:s0] =	ssyncset.done @!p0 $0x0  }
0x106: {  	[sflag:s0] =	ssyncadd.s32 @!p0 s1  }
0x107: {  	[bflag:$0x3] =	sbarrier.arrive $0xFFFF  }
0x108: {  	_ =	shalt  }

// kernel: kernel.7.cloned.1.call-start
scs
__scs_entry_jumppad:
0x0: {  	(pc) =	sbr.rel $0x88, $3  }
0x1: {  	(tag) =	ssettag $0x0;
	lr =	simm.s32 $0x1  }
0x2: {  	[smem:$0x3F9F] =	sst lr;
	_ =	strace $0xD0000000  }
0x3: {  	_ = 	snop  }
0x4: {  	_ = 	snop  }
0x5: {  	_ = 	snop  }
0x6: {  	_ = 	snop  }
0x7: {  	_ = 	snop  }
__scs_overlays_trampoline_lowered:
0x8: {  	[smem:$0x3FAE] =	sst s0  }
0x9: {  	[smem:$0x3FAF] =	sst s1  }
0xa: {  	[smem:$0x3FB0] =	sst s2  }
0xb: {  	[smem:$0x3FB1] =	sst s3  }
0xc: {  	[smem:$0x3FB2] =	sst s4  }
0xd: {  	[smem:$0x3FB3] =	sst s5  }
0xe: {  	[smem:$0x3FB4] =	sst s6  }
0xf: {  	[smem:$0x3FB5] =	sst s7  }
0x10: {  	[smem:$0x3FB6] =	sst s8  }
0x11: {  	[smem:$0x3FB7] =	sst s9;
	s0 =	simm.s32 @!p0 $0x0  }
0x12: {  	s1 =	sld [smem:$0x3F9D];
	s0 =	simm.s32 @p0 $0x1  }
0x13: {  	[smem:$0x3FB8] =	sst s0;
	s0 =	simm.s32 @!p1 $0x0  }
0x14: {  	s2 =	sld [smem:$0x3F9C];
	s0 =	simm.s32 @p1 $0x1  }
0x15: {  	[smem:$0x3FB9] =	sst s0;
	s0 =	simm.s32 @!p2 $0x0  }
0x16: {  	s3 =	sld [smem:$0x3FDB];
	s0 =	simm.s32 @p2 $0x1  }
0x17: {  	s4 =	simm.s32 $0x1BF5;
	[smem:$0x3FBB] =	sst s0  }
0x18: {  	s0 =	sld [smem:$0x3F9E];
	_ =	swait.ge [sflag:s4], $0x0  }
0x19: {  	s7 =	sld [smem:$0x3F9F]  }
0x1a: {  	s8 =	sadd.s32 $0xFFFFE003, lr  }
0x1b: {  	s9 =	sadd.s32 $0xFFFFFEF7, lr;
	s5 =	simm.s32 $0xFFFFFFFF;
	p2 =	slt.u32 s8, $0xFFFFF086  }
0x1c: {  	p1 =	slt.u32 s9, $0xF7A;
	s5 =	simm.s32 @!p2 $0x0  }
0x1d: {  	s5 =	simm.s32 @p1 $0x1;
	p0 =	seq.s32 s7, s2  }
0x1e: {  	s7 =	smul.u32 @!p0 $0xF7A, s2;
	p2 =	seq.s32 @!p0 s5, $0x0  }
0x1f: {  	s9 =	smul.u32 $0xF7A, s1;
	s8 =	simm.s32 @!p0 $0x1BF5;
	p2 =	por !p2, p0  }
0x20: {  	[sflag:s8] =	ssyncset.s32 @!p0 $0xFFFFF086;
	s6 =	sadd.s32 @!p0 s3, s7;
	s7 =	simm.s32 @!p0 $0x108  }
0x21: {  	s3 =	sadd.s32 s3, s9;
	s6 =	sadd.s32 @!p0 $0x88, s6;
	s7 =	simm.s32 @p2 $0x1082  }
0x22: {  	[simem:s7], [sflag:s8] =	dma.local @!p0 [hbm:s6], $0xF7A  }
0x23: {  	s9 =	sor.u32 $0xD0000000, s2;
	s6 =	simm.s32 $0x108;
	_ =	swait.ge @!p0 [sflag:s8], $0x0  }
0x24: {  	s3 =	sadd.s32 $0x88, s3;
	s6 =	simm.s32 @!p1 $0x1082;
	[sflag:s4] =	ssyncset.s32 $0xFFFFF086  }
0x25: {  	[simem:s6], [sflag:s4] =	dma.local [hbm:s3], $0xF7A  }
0x26: {  	[smem:$0x3F9F] =	sst s1;
	(tag) =	ssettag s2;
	_ =	strace s9  }
0x27: {  	s1 =	sld [smem:$0x3FAF]  }
0x28: {  	s2 =	sld [smem:$0x3FB0]  }
0x29: {  	s4 =	sld [smem:$0x3FB2]  }
0x2a: {  	p0 =	seq.s32 s5, $0x0;
	s5 =	sld [smem:$0x3FB3]  }
0x2b: {  	s6 =	sld [smem:$0x3FB4]  }
0x2c: {  	s7 =	sld [smem:$0x3FB5]  }
0x2d: {  	s3 =	simm.s32 $0x108;
	s8 =	sld [smem:$0x3FB6]  }
0x2e: {  	s3 =	simm.s32 @!p0 $0x1082;
	s9 =	sld [smem:$0x3FB7]  }
0x2f: {  	lr =	sadd.s32 s0, s3;
	s0 =	sld [smem:$0x3FAE]  }
0x30: {  	s3 =	sld [smem:$0x3FB1]  }
0x31: {  	[smem:$0x3FBA] =	sst s10  }
0x32: {  	s10 =	sld [smem:$0x3FB8];
	_ =	sdelay $0x3  }
0x33: {  	p0 =	seq.s32 s10, $0x1;
	s10 =	sld [smem:$0x3FBA];
	_ =	sdelay $0x3  }
0x34: {  	[smem:$0x3FBA] =	sst s10  }
0x35: {  	s10 =	sld [smem:$0x3FB9];
	_ =	sdelay $0x3  }
0x36: {  	p1 =	seq.s32 s10, $0x1;
	s10 =	sld [smem:$0x3FBA];
	_ =	sdelay $0x3  }
0x37: {  	[smem:$0x3FBA] =	sst s10  }
0x38: {  	s10 =	sld [smem:$0x3FBB]  }
0x39: {  	_ = 	snop;
	(pc) =	sbr.ind lr, $3  }
0x3a: {  	_ = 	snop  }
0x3b: {  	_ = 	snop  }
0x3c: {  	p2 =	seq.s32 s10, $0x1;
	s10 =	sld [smem:$0x3FBA]  }
0x3d: {  	_ =	shalt  }
0x3e: {  	_ =	shalt  }
0x3f: {  	_ =	shalt  }
0x40: {  	_ =	shalt  }
0x41: {  	_ =	shalt  }
0x42: {  	_ =	shalt  }
0x43: {  	_ =	shalt  }
0x44: {  	_ =	shalt  }
0x45: {  	_ =	shalt  }
0x46: {  	_ =	shalt  }
0x47: {  	_ =	shalt  }
0x48: {  	_ =	shalt  }
0x49: {  	_ =	shalt  }
0x4a: {  	_ =	shalt  }
0x4b: {  	_ =	shalt  }
0x4c: {  	_ =	shalt  }
0x4d: {  	_ =	shalt  }
0x4e: {  	_ =	shalt  }
0x4f: {  	_ =	shalt  }
0x50: {  	_ =	shalt  }
0x51: {  	_ =	shalt  }
0x52: {  	_ =	shalt  }
0x53: {  	_ =	shalt  }
0x54: {  	_ =	shalt  }
0x55: {  	_ =	shalt  }
0x56: {  	_ =	shalt  }
0x57: {  	_ =	shalt  }
0x58: {  	_ =	shalt  }
0x59: {  	_ =	shalt  }
0x5a: {  	_ =	shalt  }
0x5b: {  	_ =	shalt  }
0x5c: {  	_ =	shalt  }
0x5d: {  	_ =	shalt  }
0x5e: {  	_ =	shalt  }
0x5f: {  	_ =	shalt  }
0x60: {  	_ =	shalt  }
0x61: {  	_ =	shalt  }
0x62: {  	_ =	shalt  }
0x63: {  	_ =	shalt  }
0x64: {  	_ =	shalt  }
0x65: {  	_ =	shalt  }
0x66: {  	_ =	shalt  }
0x67: {  	_ =	shalt  }
0x68: {  	_ =	shalt  }
0x69: {  	_ =	shalt  }
0x6a: {  	_ =	shalt  }
0x6b: {  	_ =	shalt  }
0x6c: {  	_ =	shalt  }
0x6d: {  	_ =	shalt  }
0x6e: {  	_ =	shalt  }
0x6f: {  	_ =	shalt  }
0x70: {  	_ =	shalt  }
0x71: {  	_ =	shalt  }
0x72: {  	_ =	shalt  }
0x73: {  	_ =	shalt  }
0x74: {  	_ =	shalt  }
0x75: {  	_ =	shalt  }
0x76: {  	_ =	shalt  }
0x77: {  	_ =	shalt  }
0x78: {  	_ =	shalt  }
0x79: {  	_ =	shalt  }
0x7a: {  	_ =	shalt  }
0x7b: {  	_ =	shalt  }
0x7c: {  	_ =	shalt  }
0x7d: {  	_ =	shalt  }
0x7e: {  	_ =	shalt  }
0x7f: {  	_ =	shalt  }
0x80: {  	_ =	shalt  }
0x81: {  	_ =	shalt  }
0x82: {  	_ =	shalt  }
0x83: {  	_ =	shalt  }
0x84: {  	_ =	shalt  }
0x85: {  	_ =	shalt  }
0x86: {  	_ =	shalt  }
0x87: {  	_ =	shalt  }
.Lfunc_end0:
.L_simem_size_0:
called_computation.1_lowered:
.L_overlay_start_0:
0x88: {  	s2 =	sld [smem:$0x3FD9]  }
0x89: {  	s3 =	sld [smem:$0x3FFE];
	_ =	sdelay $0x1  }
0x8a: {  	s1 =	srdreg.scid  }
0x8b: {  	s0 =	sand.u32 $0x1, s1  }
0x8c: {  	s14 =	sshll.u32 s0, $0xA;
	s2 =	sadd.s32 s3, s2  }
0x8d: {  	s2 =	sadd.s32 s2, s14  }
0x8e: {  	[smem:$0x3FC6] =	sst s2  }
0x8f: {  	_ = 	snop  }
0x90: {  	s2 =	sld [smem:$0x3FD0];
	_ =	sdelay $0x2  }
0x91: {  	s15 =	simm.s32 $0xA;
	s4 =	simm.s32 $0x10  }
0x92: {  	[smem:s4], [sflag:s15] =	dma.local [hbm:s2], $0x1  }
0x93: {  	_ =	swait.eq [sflag:s15], $0x1  }
0x94: {  	[sflag:s15] =	ssyncset.done $0x0  }
0x95: {  	s16 =	sld [smem:$0x10];
	[sflag:s15] =	ssyncadd.s32 $0xFFFFFFFF  }
0x96: {  	s17 =	sld [smem:$0x11];
	(tm) =	ssettm $0x1  }
0x97: {  	s18 =	sld [smem:$0x3FFB];
	_ =	sdelay $0x3  }
0x98: {  	_ =	strace s18  }
0x99: {  	s4 =	sld [smem:$0x3FFC];
	_ =	sdelay $0x3  }
0x9a: {  	_ =	strace s4  }
0x9b: {  	s4 =	sld [smem:$0x3FFD];
	_ =	sdelay $0x3  }
0x9c: {  	_ =	strace s4  }
0x9d: {  	_ =	strace $0x8FFFFFFF  }
0x9e: {  	s19 =	sld [smem:$0x3FDB];
	_ =	sdelay $0x1  }
0x9f: {  	s5 =	simm.s32 $_scs_section_size  }
0xa0: {  	s6 =	simm.s32 $_size__tile_overlayer_lowered;
	s7 =	simm.s32 $_tile_overlayer_lowered  }
0xa1: {  	s22 =	simm.s32 $0x1BFF;
	s21 =	sshll.u32 s7, $0x1;
	s4 =	sadd.s32 s5, s19  }
0xa2: {  	s8 =	simm.s32 $0x0;
	s20 =	sshll.u32 s6, $0x1;
	s6 =	sadd.s32 s21, s4  }
0xa3: {  	[timem:s8], [sflag:s22] =	dma.local [hbm:s6], s20  }
0xa4: {  	_ =	swait.ge [sflag:s22], s20  }
0xa5: {  	s5 =	ssub.s32 $0x0, s20;
	[sflag:s22] =	ssyncset.done $0x0  }
0xa6: {  	[sflag:s22] =	ssyncadd.s32 s5;
	_ =	sdelay $0x1  }
0xa7: {  	s23 =	simm.s32 $0x1B8B  }
0xa8: {  	_ =	swait.ge [sflag:s23], $0x1  }
0xa9: {  	[sflag:s23] =	ssyncset.done $0x0  }
0xaa: {  	s25 =	simm.s32 $0x1B8E;
	s24 =	sld [smem:$0x3FFE];
	[sflag:s23] =	ssyncadd.s32 $0xFFFFFFFF  }
0xab: {  	s26 =	simm.s32 $execute0_lowered;
	[smem:$0x3FD2] =	sst s25  }
0xac: {  	s6 =	sshll.u32 s26, $0x1;
	_ =	strace $0x80000049;
	[dreg:$0x1] =	wrdreg $0xFFFFFFFF  }
0xad: {  	s28 =	simm.s32 $_size_execute0_lowered;
	s4 =	sadd.s32 s4, s6;
	[dreg:$0x0] =	wrdreg $0x0  }
0xae: {  	s6 =	sshll.u32 s28, $0x1;
	[dreg:$0x2] =	wrdreg s4  }
0xaf: {  	[dreg:$0x3] =	wrdreg s6  }
0xb0: {  	[dreg:$0x4] =	wrdreg $0xC0  }
0xb1: {  	_ =	task [dreg:s8], $0x5FFFF  }
0xb2: {  	[dreg:$0x1] =	wrdreg $0xFFFFFFFF  }
0xb3: {  	[dreg:$0x0] =	wrdreg $0x60  }
0xb4: {  	[dreg:$0x2] =	wrdreg s16  }
0xb5: {  	[dreg:$0x3] =	wrdreg s24  }
0xb6: {  	[dreg:$0x4] =	wrdreg s17  }
0xb7: {  	[dreg:$0x5] =	wrdreg $0x9  }
0xb8: {  	_ =	task.clear_ibuf [dreg:s8], $0x6FFFF;
	_ =	strace $0x90000049  }
0xb9: {  	s29 =	simm.s32 $0x9;
	_ =	strace $0x8000004B  }
0xba: {  	_ =	swait.ge [sflag:s29], $0x1  }
0xbb: {  	[sflag:s29] =	ssyncadd.s32 $0xFFFFFFFF  }
0xbc: {  	_ =	strace $0x9000004B  }
0xbd: {  	_ =	sfence  }
0xbe: {  	s30 =	sld [smem:$0x0];
	_ =	sdelay $0x2  }
0xbf: {  	s31 =	sshll.u32 s1, $0xD;
	s1 =	sshrl.u32 s1, $0x2  }
0xc0: {  	s3 =	sand.u32 $0x4000, s31;
	s1 =	sadd.s32 s1, s30  }
0xc1: {  	s0 =	sor.u32 s3, s0;
	s1 =	sshll.u32 s1, $0x11  }
0xc2: {  	s0 =	sor.u32 s1, s0  }
0xc3: {  	s0 =	sadd.s32 $0x8F2B, s0  }
0xc4: {  	[sflag:s0] =	ssyncadd.remote.s32 $0x1  }
0xc5: {  	_ =	sfence.sel $0xFFFF  }
0xc6: {  	[dreg:$0x0] =	wrdreg $0xFFFFFFFF;
	(pc) =	sbr.abs _section_cstart, $3  }
0xc7: {  	[dreg:$0x1] =	wrdreg $0xFFFFFFFF  }
0xc8: {  	_ =	task.clear_ibuf [dreg:s8], $0x2FFFF;
	_ =	strace $0x9FFFFFFF  }
0xc9: {  	(tm) =	ssettm $0x7FFFFFFF  }
tec
execute0_lowered:
.L_overlay_start_1:
0x0: {  	(tag) =	ssettag $0x1  }
0x1: {  	s0 =	rddreg [dreg:$0x0]  }
0x2: {  	s1 =	srdreg.scid;
	s2 =	rddreg [dreg:$0x1]  }
0x3: {  	s3 =	rddreg [dreg:$0x2];
	s6 =	stileid.u32;
	s4 =	simm.s32 $0x0  }
0x4: {  	s18 =	simm.s32 $0x19700;
	s19 =	simm.s32 $0x1B700;
	s20 =	simm.s32 $0x7  }
0x5: {  	s21 =	simm.s32 $0x1;
	s22 =	simm.s32 $0x3;
	s23 =	simm.s32 $0x1C700  }
0x6: {  	s24 =	simm.s32 $0x2;
	s25 =	simm.s32 $0x4;
	s28 =	simm.s32 $0x5  }
0x7: {  	s29 =	simm.s32 $0x6;
	s1 =	sand.u32 $0x1, s1;
	[smem:$0x7FF] =	sst s4  }
0x8: {  	s30 =	simm.s32 $0x0;
	s5 =	sshll.u32 s1, $0x4;
	_ =	strace $0x8000004A  }
0x9: {  	s1 =	ssub.s32 $0x2, s1;
	s5 =	sor.u32 s6, s5;
	s6 =	sadd.s32 $0xC00, s2  }
0xa: {  	s2 =	sadd.s32 $0xC4200, s2;
	s26 =	sshrl.u32 s1, $0x1;
	s5 =	smul.u32 $0x30D40, s5  }
.Ltmp0:
0xb: {  	[dreg:$0x4] =	wrdreg s2;
	s1 =	ssub.s32 s1, s26;
	(pc) =	sbr.rel .LBB2_1-.Ltmp0, $4  }
0xc: {  	s26 =	simm.s32 $0x1D700;
	s15 =	smax.u32 s1, $0x1;
	s8 =	sadd.s32 $0xFA0, s5  }
0xd: {  	s31 =	sshrl.u32 s5, $0x3;
	s13 =	sadd.s32 $0x1F40, s5;
	s14 =	sadd.s32 $0x2EE0, s5  }
0xe: {  	s7 =	sshrl.u32 s8, $0x3;
	s9 =	sadd.s32 s0, s31;
	s10 =	sadd.s32 s6, s31  }
0xf: {  	[dreg:$0x5] =	wrdreg s9;
	s11 =	sadd.s32 s0, s7;
	s12 =	sadd.s32 s6, s7  }
.LBB2_8:
0x10: {  	s30 =	sadd.s32 $0x1, s30  }
0x11: {  	_ =	swait.ge [sflag:s28], $0xFA0;
	p0 =	sne.s32 s30, s15  }
.Ltmp1:
0x12: {  	[sflag:s28] =	ssyncset.done $0x0;
	(pc) =	sbr.rel @!p0 .LBB2_9-.Ltmp1, $4  }
0x13: {  	[sflag:s28] =	ssyncadd.s32 $0xFFFFF060  }
0x14: {  	_ =	swait.ge [sflag:s29], $0xFA0  }
0x15: {  	[sflag:s29] =	ssyncset.done $0x0  }
0x16: {  	[sflag:s29] =	ssyncadd.s32 $0xFFFFF060  }
.LBB2_1:
0x17: {  	s1 =	rddreg [dreg:$0x4]  }
0x18: {  	[tilespmem:s4], [sflag:$0x7] =	stream.linear.gather [hbm4b:s1+s4], $0x18700, $0x38;
	[tilespmem:$0x1E700] =	vst v63  }
0x19: {  	s16 =	rddreg [dreg:$0x5];
	s2 =	simm.s32 $0x18700  }
0x1a: {  	[tilespmem:s2], [sflag:$0x1] =	stream.linear.gather [hbm4b:s16+s4], $0xFA0, $0x38;
	[tilespmem:$0x1E700] =	vst v63  }
0x1b: {  	s17 =	simm.s32 $0x1A700  }
0x1c: {  	[tilespmem:s17], [sflag:$0x3] =	stream.linear.gather [hbm4b:s10+s4], $0xFA0, $0x38;
	[tilespmem:$0x1E700] =	vst v63  }
0x1d: {  	_ = 	snop  }
0x1e: {  	[tilespmem:s18], [sflag:$0x2] =	stream.linear.gather [hbm4b:s11+s4], $0xFA0, $0x38;
	[tilespmem:$0x1E700] =	vst v63  }
0x1f: {  	_ = 	snop  }
0x20: {  	[tilespmem:s19], [sflag:$0x4] =	stream.linear.gather [hbm4b:s12+s4], $0xFA0, $0x38;
	[tilespmem:$0x1E700] =	vst v63  }
0x21: {  	_ =	swait.ge [sflag:s20], $0x18700  }
0x22: {  	[sflag:s20] =	ssyncset.done $0x0  }
0x23: {  	s31 =	simm.s32 $0x0;
	[sflag:s20] =	ssyncadd.s32 $0xFFFE7900  }
.LBB2_2:
0x24: {  	_ =	swait.ge [sflag:s21], $0xFA0  }
0x25: {  	[sflag:s21] =	ssyncset.done $0x0  }
0x26: {  	[sflag:s21] =	ssyncadd.s32 $0xFFFFF060  }
0x27: {  	_ =	swait.ge [sflag:s22], $0xFA0  }
0x28: {  	p0 =	seq.s32 s31, $0x0;
	[sflag:s22] =	ssyncset.done $0x0  }
0x29: {  	s1 =	simm.s32 @!p0 $0x5;
	[sflag:s22] =	ssyncadd.s32 $0xFFFFF060  }
0x2a: {  	_ =	swait.ge @!p0 [sflag:s1], $0xFA0  }
0x2b: {  	[sflag:s1] =	ssyncset.done @!p0 $0x0  }
0x2c: {  	s16 =	simm.s32 $0x1A750;
	[sflag:s1] =	ssyncadd.s32 @!p0 $0xFFFFF060  }
0x2d: {  	s2 =	simm.s32 $0x0;
	v0 =	vld [tilespmem:s16+$0xFFFFFFB0]  }
0x2e: {  	s2 =	sand.u32 $0x1FE0, s2;
	v1 =	vld [tilespmem:s16+$0x40]  }
0x2f: {  	v2 =	vld [tilespmem:s2+$0x1A780]  }
0x30: {  	s7 =	simm.s32 $0x18750;
	v3 =	vld [tilespmem:s16+$0x20]  }
0x31: {  	v4 =	vld [tilespmem:s7+$0xFFFFFFB0]  }
0x32: {  	v5 =	vld [tilespmem:s7+$0x40]  }
0x33: {  	v6 =	vld [tilespmem:s16+$0x10]  }
0x34: {  	v7 =	vld [tilespmem:s16+$0x0]  }
0x35: {  	v8 =	vld [tilespmem:s16+$0xFFFFFFF0]  }
0x36: {  	v9 =	vld [tilespmem:s16+$0xFFFFFFE0]  }
0x37: {  	v10 =	vld [tilespmem:s16+$0xFFFFFFD0]  }
0x38: {  	v11 =	vld [tilespmem:s16+$0xFFFFFFC0]  }
0x39: {  	v12 =	vld [tilespmem:s7+$0xFFFFFFC0]  }
0x3a: {  	v13 =	vld [tilespmem:s7+$0xFFFFFFD0]  }
0x3b: {  	v14 =	vld [tilespmem:s7+$0xFFFFFFE0]  }
0x3c: {  	v15 =	vld [tilespmem:s7+$0xFFFFFFF0]  }
0x3d: {  	v16 =	vld [tilespmem:s7+$0x0]  }
0x3e: {  	v17 =	vld [tilespmem:s7+$0x10]  }
0x3f: {  	v18 =	vld [tilespmem:s7+$0x20]  }
0x40: {  	v19 =	vld [tilespmem:s2+$0x18780]  }
0x41: {  	v4 =	vld.idx.msk [tilespmem:v4+s4+$0x0], $0xffff  }
0x42: {  	v5 =	vld.idx.msk [tilespmem:v5+s4+$0x0], $0xffff  }
0x43: {  	v12 =	vld.idx.msk [tilespmem:v12+s4+$0x0], $0xffff  }
0x44: {  	v13 =	vld.idx.msk [tilespmem:v13+s4+$0x0], $0xffff  }
0x45: {  	v14 =	vld.idx.msk [tilespmem:v14+s4+$0x0], $0xffff  }
0x46: {  	v15 =	vld.idx.msk [tilespmem:v15+s4+$0x0], $0xffff  }
0x47: {  	v16 =	vld.idx.msk [tilespmem:v16+s4+$0x0], $0xffff  }
0x48: {  	v17 =	vld.idx.msk [tilespmem:v17+s4+$0x0], $0xffff;
	v0 =	vmul.f32 v4, v0  }
0x49: {  	s1 =	simm.s32 $0x1C750;
	v4 =	vld.idx.msk [tilespmem:v18+s4+$0x0], $0xffff;
	v11 =	vmul.f32 v12, v11  }
0x4a: {  	v12 =	vld.idx.msk [tilespmem:v19+s4+$0x0], $0xffff;
	[tilespmem:s1+$0xFFFFFFB0] =	vst v0;
	v0 =	vmul.f32 v13, v10  }
0x4b: {  	v9 =	vmul.f32 v14, v9;
	[tilespmem:s1+$0xFFFFFFC0] =	vst v11  }
0x4c: {  	[tilespmem:s1+$0xFFFFFFD0] =	vst v0;
	v0 =	vmul.f32 v15, v8  }
0x4d: {  	v7 =	vmul.f32 v16, v7;
	[tilespmem:s1+$0xFFFFFFE0] =	vst v9  }
0x4e: {  	[tilespmem:s1+$0xFFFFFFF0] =	vst v0;
	v0 =	vmul.f32 v17, v6  }
0x4f: {  	[tilespmem:s1+$0x0] =	vst v7;
	v3 =	vmul.f32 v4, v3  }
0x50: {  	[tilespmem:s1+$0x10] =	vst v0;
	v0 =	vmul.f32 v12, v2  }
0x51: {  	v1 =	vmul.f32 v5, v1;
	[tilespmem:s1+$0x20] =	vst v3  }
0x52: {  	[tilespmem:s2+$0x1C780] =	vst v0  }
0x53: {  	s16 =	simm.s32 $0x1A7F0;
	[tilespmem:s1+$0x40] =	vst v1  }
0x54: {  	s17 =	simm.s32 $0xA0;
	v6 =	vld [tilespmem:s16+$0xFFFFFFB0]  }
0x55: {  	s2 =	sand.u32 $0x1FE0, s17;
	v0 =	vld [tilespmem:s16+$0x40]  }
0x56: {  	v1 =	vld [tilespmem:s2+$0x1A780]  }
0x57: {  	s17 =	simm.s32 $0x187F0;
	v2 =	vld [tilespmem:s16+$0x20]  }
0x58: {  	v4 =	vld [tilespmem:s17+$0xFFFFFFB0]  }
0x59: {  	v12 =	vld [tilespmem:s17+$0x40]  }
0x5a: {  	v3 =	vld [tilespmem:s16+$0x10]  }
0x5b: {  	v5 =	vld [tilespmem:s16+$0x0]  }
0x5c: {  	v7 =	vld [tilespmem:s16+$0xFFFFFFF0]  }
0x5d: {  	v8 =	vld [tilespmem:s16+$0xFFFFFFE0]  }
0x5e: {  	v9 =	vld [tilespmem:s16+$0xFFFFFFD0]  }
0x5f: {  	v10 =	vld [tilespmem:s16+$0xFFFFFFC0]  }
0x60: {  	v14 =	vld [tilespmem:s17+$0xFFFFFFC0]  }
0x61: {  	v15 =	vld [tilespmem:s17+$0xFFFFFFD0]  }
0x62: {  	v16 =	vld [tilespmem:s17+$0xFFFFFFE0]  }
0x63: {  	v17 =	vld [tilespmem:s17+$0xFFFFFFF0]  }
0x64: {  	v18 =	vld [tilespmem:s17+$0x0]  }
0x65: {  	v19 =	vld [tilespmem:s17+$0x10]  }
0x66: {  	v13 =	vld [tilespmem:s17+$0x20]  }
0x67: {  	v11 =	vld.idx.msk [tilespmem:v4+s4+$0x0], $0xffff  }
0x68: {  	v4 =	vld.idx.msk [tilespmem:v12+s4+$0x0], $0xffff  }
0x69: {  	s7 =	simm.s32 $0x140;
	v12 =	vld [tilespmem:s2+$0x18780]  }
.LBB2_3:
0x6a: {  	p1 =	sne.s32 s7, $0xF00;
	v14 =	vld.idx.msk [tilespmem:v14+s4+$0x0], $0xffff  }
0x6b: {  	v15 =	vld.idx.msk [tilespmem:v15+s4+$0x0], $0xffff  }
0x6c: {  	v16 =	vld.idx.msk [tilespmem:v16+s4+$0x0], $0xffff  }
0x6d: {  	v17 =	vld.idx.msk [tilespmem:v17+s4+$0x0], $0xffff  }
0x6e: {  	v18 =	vld.idx.msk [tilespmem:v18+s4+$0x0], $0xffff  }
0x6f: {  	v6 =	vmul.f32 v11, v6;
	v19 =	vld.idx.msk [tilespmem:v19+s4+$0x0], $0xffff  }
0x70: {  	s1 =	sadd.s32 $0xA0, s1;
	v10 =	vmul.f32 v14, v10;
	v11 =	vld.idx.msk [tilespmem:v13+s4+$0x0], $0xffff  }
0x71: {  	v12 =	vld.idx.msk [tilespmem:v12+s4+$0x0], $0xffff;
	[tilespmem:s1+$0xFFFFFFB0] =	vst v6;
	v6 =	vmul.f32 v15, v9  }
0x72: {  	v8 =	vmul.f32 v16, v8;
	[tilespmem:s1+$0xFFFFFFC0] =	vst v10  }
0x73: {  	[tilespmem:s1+$0xFFFFFFD0] =	vst v6;
	v6 =	vmul.f32 v17, v7  }
0x74: {  	v5 =	vmul.f32 v18, v5;
	[tilespmem:s1+$0xFFFFFFE0] =	vst v8  }
0x75: {  	v3 =	vmul.f32 v19, v3;
	[tilespmem:s1+$0xFFFFFFF0] =	vst v6  }
0x76: {  	v2 =	vmul.f32 v11, v2;
	[tilespmem:s1+$0x0] =	vst v5  }
0x77: {  	v1 =	vmul.f32 v12, v1;
	[tilespmem:s1+$0x10] =	vst v3  }
0x78: {  	v0 =	vmul.f32 v4, v0;
	[tilespmem:s1+$0x20] =	vst v2  }
0x79: {  	[tilespmem:s2+$0x1C780] =	vst v1  }
0x7a: {  	s16 =	sadd.s32 $0xA0, s16;
	[tilespmem:s1+$0x40] =	vst v0  }
0x7b: {  	v6 =	vld [tilespmem:s16+$0xFFFFFFB0]  }
0x7c: {  	s2 =	sand.u32 $0x1FE0, s7;
	v0 =	vld [tilespmem:s16+$0x40]  }
0x7d: {  	v1 =	vld [tilespmem:s2+$0x1A780]  }
0x7e: {  	s17 =	sadd.s32 $0xA0, s17;
	v2 =	vld [tilespmem:s16+$0x20]  }
0x7f: {  	v4 =	vld [tilespmem:s17+$0xFFFFFFB0]  }
0x80: {  	v12 =	vld [tilespmem:s17+$0x40]  }
0x81: {  	v3 =	vld [tilespmem:s16+$0x10]  }
0x82: {  	v5 =	vld [tilespmem:s16+$0x0]  }
0x83: {  	v7 =	vld [tilespmem:s16+$0xFFFFFFF0]  }
0x84: {  	v8 =	vld [tilespmem:s16+$0xFFFFFFE0]  }
0x85: {  	v9 =	vld [tilespmem:s16+$0xFFFFFFD0]  }
0x86: {  	v10 =	vld [tilespmem:s16+$0xFFFFFFC0]  }
0x87: {  	v11 =	vld.idx.msk [tilespmem:v4+s4+$0x0], $0xffff  }
0x88: {  	v4 =	vld.idx.msk [tilespmem:v12+s4+$0x0], $0xffff  }
0x89: {  	v14 =	vld [tilespmem:s17+$0xFFFFFFC0]  }
0x8a: {  	v15 =	vld [tilespmem:s17+$0xFFFFFFD0]  }
0x8b: {  	v16 =	vld [tilespmem:s17+$0xFFFFFFE0]  }
.Ltmp2:
0x8c: {  	v17 =	vld [tilespmem:s17+$0xFFFFFFF0];
	(pc) =	sbr.rel @p1 .LBB2_3-.Ltmp2, $4  }
0x8d: {  	v18 =	vld [tilespmem:s17+$0x0]  }
0x8e: {  	v19 =	vld [tilespmem:s17+$0x10]  }
0x8f: {  	v13 =	vld [tilespmem:s17+$0x20]  }
0x90: {  	s7 =	sadd.s32 $0xA0, s7;
	v12 =	vld [tilespmem:s2+$0x18780]  }
0x91: {  	_ =	sdelay $0x3  }
0x92: {  	v14 =	vld.idx.msk [tilespmem:v14+s4+$0x0], $0xffff  }
0x93: {  	v15 =	vld.idx.msk [tilespmem:v15+s4+$0x0], $0xffff  }
0x94: {  	v16 =	vld.idx.msk [tilespmem:v16+s4+$0x0], $0xffff  }
0x95: {  	v17 =	vld.idx.msk [tilespmem:v17+s4+$0x0], $0xffff  }
0x96: {  	v18 =	vld.idx.msk [tilespmem:v18+s4+$0x0], $0xffff  }
0x97: {  	v6 =	vmul.f32 v11, v6;
	v19 =	vld.idx.msk [tilespmem:v19+s4+$0x0], $0xffff  }
0x98: {  	s7 =	sadd.s32 $0xA0, s1;
	v11 =	vld.idx.msk [tilespmem:v13+s4+$0x0], $0xffff;
	v10 =	vmul.f32 v14, v10  }
0x99: {  	v12 =	vld.idx.msk [tilespmem:v12+s4+$0x0], $0xffff;
	[tilespmem:s7+$0xFFFFFFB0] =	vst v6;
	v6 =	vmul.f32 v15, v9  }
0x9a: {  	v8 =	vmul.f32 v16, v8;
	[tilespmem:s7+$0xFFFFFFC0] =	vst v10  }
0x9b: {  	v5 =	vmul.f32 v18, v5;
	[tilespmem:s7+$0xFFFFFFD0] =	vst v6  }
0x9c: {  	v6 =	vmul.f32 v17, v7;
	[tilespmem:s7+$0xFFFFFFE0] =	vst v8  }
0x9d: {  	v3 =	vmul.f32 v19, v3;
	[tilespmem:s7+$0x0] =	vst v5  }
0x9e: {  	s1 =	smul.u32 $0x1F40, s31;
	v2 =	vmul.f32 v11, v2;
	[tilespmem:s7+$0xFFFFFFF0] =	vst v6  }
0x9f: {  	[tilespmem:s7+$0x10] =	vst v3;
	v1 =	vmul.f32 v12, v1  }
0xa0: {  	v0 =	vmul.f32 v4, v0;
	s9 =	sadd.s32 s5, s1;
	[tilespmem:s7+$0x20] =	vst v2  }
0xa1: {  	s17 =	sshrl.u32 s9, $0x3;
	[tilespmem:s2+$0x1C780] =	vst v1  }
0xa2: {  	p1 =	seq.s32 s31, $0x18;
	s2 =	sadd.s32 s3, s17;
	[tilespmem:s7+$0x40] =	vst v0  }
0xa3: {  	[hbm4b:s2+s4] =	stream.linear.scatter [tilespmem:s23], [sflag:$0x5], $0xFA0, $0x38;
	[tilespmem:$0x1E700] =	vst v63  }
0xa4: {  	s2 =	sadd.s32 @!p1 s1, s13  }
0xa5: {  	s2 =	sshrl.u32 @!p1 s2, $0x3  }
0xa6: {  	s16 =	simm.s32 @!p1 $0x18700;
	s9 =	simm.s32 @!p1 $0x0;
	s7 =	sadd.s32 @!p1 s0, s2  }
0xa7: {  	[tilespmem:s16], [sflag:$0x1] =	stream.linear.gather @!p1 [hbm4b:s7+s9], $0xFA0, $0x38;
	[tilespmem:$0x1E700] =	vst v63  }
0xa8: {  	s2 =	sadd.s32 @!p1 s6, s2;
	s7 =	simm.s32 @!p1 $0x1A700  }
0xa9: {  	[tilespmem:s7], [sflag:$0x3] =	stream.linear.gather @!p1 [hbm4b:s2+s9], $0xFA0, $0x38;
	[tilespmem:$0x1E700] =	vst v63  }
0xaa: {  	_ =	swait.ge [sflag:s24], $0xFA0  }
0xab: {  	[sflag:s24] =	ssyncset.done $0x0  }
0xac: {  	[sflag:s24] =	ssyncadd.s32 $0xFFFFF060  }
0xad: {  	_ =	swait.ge [sflag:s25], $0xFA0  }
0xae: {  	[sflag:s25] =	ssyncset.done $0x0  }
0xaf: {  	s2 =	simm.s32 @!p0 $0x6;
	[sflag:s25] =	ssyncadd.s32 $0xFFFFF060  }
0xb0: {  	_ =	swait.ge @!p0 [sflag:s2], $0xFA0  }
0xb1: {  	[sflag:s2] =	ssyncset.done @!p0 $0x0  }
0xb2: {  	s9 =	simm.s32 $0x1B750;
	[sflag:s2] =	ssyncadd.s32 @!p0 $0xFFFFF060  }
0xb3: {  	s16 =	simm.s32 $0x0;
	v0 =	vld [tilespmem:s9+$0xFFFFFFB0]  }
0xb4: {  	s7 =	sand.u32 $0x1FE0, s16;
	v1 =	vld [tilespmem:s9+$0x40]  }
0xb5: {  	v2 =	vld [tilespmem:s7+$0x1B780]  }
0xb6: {  	s17 =	simm.s32 $0x19750;
	v3 =	vld [tilespmem:s9+$0x20]  }
0xb7: {  	v4 =	vld [tilespmem:s17+$0xFFFFFFB0]  }
0xb8: {  	v5 =	vld [tilespmem:s17+$0x40]  }
0xb9: {  	v6 =	vld [tilespmem:s9+$0x10]  }
0xba: {  	v7 =	vld [tilespmem:s9+$0x0]  }
0xbb: {  	v8 =	vld [tilespmem:s9+$0xFFFFFFF0]  }
0xbc: {  	v9 =	vld [tilespmem:s9+$0xFFFFFFE0]  }
0xbd: {  	v10 =	vld [tilespmem:s9+$0xFFFFFFD0]  }
0xbe: {  	v11 =	vld [tilespmem:s9+$0xFFFFFFC0]  }
0xbf: {  	v12 =	vld [tilespmem:s17+$0xFFFFFFC0]  }
0xc0: {  	v13 =	vld [tilespmem:s17+$0xFFFFFFD0]  }
0xc1: {  	v14 =	vld [tilespmem:s17+$0xFFFFFFE0]  }
0xc2: {  	v15 =	vld [tilespmem:s17+$0xFFFFFFF0]  }
0xc3: {  	v16 =	vld [tilespmem:s17+$0x0]  }
0xc4: {  	v17 =	vld [tilespmem:s17+$0x10]  }
0xc5: {  	v18 =	vld [tilespmem:s17+$0x20]  }
0xc6: {  	v19 =	vld [tilespmem:s7+$0x19780]  }
0xc7: {  	v4 =	vld.idx.msk [tilespmem:v4+s4+$0x0], $0xffff  }
0xc8: {  	v5 =	vld.idx.msk [tilespmem:v5+s4+$0x0], $0xffff  }
0xc9: {  	v12 =	vld.idx.msk [tilespmem:v12+s4+$0x0], $0xffff  }
0xca: {  	v13 =	vld.idx.msk [tilespmem:v13+s4+$0x0], $0xffff  }
0xcb: {  	v14 =	vld.idx.msk [tilespmem:v14+s4+$0x0], $0xffff  }
0xcc: {  	v15 =	vld.idx.msk [tilespmem:v15+s4+$0x0], $0xffff  }
0xcd: {  	v16 =	vld.idx.msk [tilespmem:v16+s4+$0x0], $0xffff  }
0xce: {  	v17 =	vld.idx.msk [tilespmem:v17+s4+$0x0], $0xffff;
	v0 =	vmul.f32 v4, v0  }
0xcf: {  	s2 =	simm.s32 $0x1D750;
	v4 =	vld.idx.msk [tilespmem:v18+s4+$0x0], $0xffff;
	v11 =	vmul.f32 v12, v11  }
0xd0: {  	v12 =	vld.idx.msk [tilespmem:v19+s4+$0x0], $0xffff;
	[tilespmem:s2+$0xFFFFFFB0] =	vst v0;
	v0 =	vmul.f32 v13, v10  }
0xd1: {  	v9 =	vmul.f32 v14, v9;
	[tilespmem:s2+$0xFFFFFFC0] =	vst v11  }
0xd2: {  	[tilespmem:s2+$0xFFFFFFD0] =	vst v0;
	v0 =	vmul.f32 v15, v8  }
0xd3: {  	v7 =	vmul.f32 v16, v7;
	[tilespmem:s2+$0xFFFFFFE0] =	vst v9  }
0xd4: {  	[tilespmem:s2+$0xFFFFFFF0] =	vst v0;
	v0 =	vmul.f32 v17, v6  }
0xd5: {  	[tilespmem:s2+$0x0] =	vst v7;
	v3 =	vmul.f32 v4, v3  }
0xd6: {  	[tilespmem:s2+$0x10] =	vst v0;
	v0 =	vmul.f32 v12, v2  }
0xd7: {  	v1 =	vmul.f32 v5, v1;
	[tilespmem:s2+$0x20] =	vst v3  }
0xd8: {  	[tilespmem:s7+$0x1D780] =	vst v0  }
0xd9: {  	s17 =	simm.s32 $0x1B7F0;
	[tilespmem:s2+$0x40] =	vst v1  }
0xda: {  	s16 =	simm.s32 $0xA0;
	v6 =	vld [tilespmem:s17+$0xFFFFFFB0]  }
0xdb: {  	s16 =	sand.u32 $0x1FE0, s16;
	v0 =	vld [tilespmem:s17+$0x40]  }
0xdc: {  	v1 =	vld [tilespmem:s16+$0x1B780]  }
0xdd: {  	s7 =	simm.s32 $0x197F0;
	v2 =	vld [tilespmem:s17+$0x20]  }
0xde: {  	v4 =	vld [tilespmem:s7+$0xFFFFFFB0]  }
0xdf: {  	v12 =	vld [tilespmem:s7+$0x40]  }
0xe0: {  	v3 =	vld [tilespmem:s17+$0x10]  }
0xe1: {  	v5 =	vld [tilespmem:s17+$0x0]  }
0xe2: {  	v7 =	vld [tilespmem:s17+$0xFFFFFFF0]  }
0xe3: {  	v8 =	vld [tilespmem:s17+$0xFFFFFFE0]  }
0xe4: {  	v9 =	vld [tilespmem:s17+$0xFFFFFFD0]  }
0xe5: {  	v10 =	vld [tilespmem:s17+$0xFFFFFFC0]  }
0xe6: {  	v14 =	vld [tilespmem:s7+$0xFFFFFFC0]  }
0xe7: {  	v15 =	vld [tilespmem:s7+$0xFFFFFFD0]  }
0xe8: {  	v16 =	vld [tilespmem:s7+$0xFFFFFFE0]  }
0xe9: {  	v17 =	vld [tilespmem:s7+$0xFFFFFFF0]  }
0xea: {  	v18 =	vld [tilespmem:s7+$0x0]  }
0xeb: {  	v19 =	vld [tilespmem:s7+$0x10]  }
0xec: {  	v13 =	vld [tilespmem:s7+$0x20]  }
0xed: {  	v11 =	vld.idx.msk [tilespmem:v4+s4+$0x0], $0xffff  }
0xee: {  	v4 =	vld.idx.msk [tilespmem:v12+s4+$0x0], $0xffff  }
0xef: {  	s9 =	simm.s32 $0x140;
	v12 =	vld [tilespmem:s16+$0x19780]  }
.LBB2_5:
0xf0: {  	p0 =	sne.s32 s9, $0xF00;
	v14 =	vld.idx.msk [tilespmem:v14+s4+$0x0], $0xffff  }
0xf1: {  	v15 =	vld.idx.msk [tilespmem:v15+s4+$0x0], $0xffff  }
0xf2: {  	v16 =	vld.idx.msk [tilespmem:v16+s4+$0x0], $0xffff  }
0xf3: {  	v17 =	vld.idx.msk [tilespmem:v17+s4+$0x0], $0xffff  }
0xf4: {  	v18 =	vld.idx.msk [tilespmem:v18+s4+$0x0], $0xffff  }
0xf5: {  	v6 =	vmul.f32 v11, v6;
	v19 =	vld.idx.msk [tilespmem:v19+s4+$0x0], $0xffff  }
0xf6: {  	s2 =	sadd.s32 $0xA0, s2;
	v10 =	vmul.f32 v14, v10;
	v11 =	vld.idx.msk [tilespmem:v13+s4+$0x0], $0xffff  }
0xf7: {  	v12 =	vld.idx.msk [tilespmem:v12+s4+$0x0], $0xffff;
	[tilespmem:s2+$0xFFFFFFB0] =	vst v6;
	v6 =	vmul.f32 v15, v9  }
0xf8: {  	v8 =	vmul.f32 v16, v8;
	[tilespmem:s2+$0xFFFFFFC0] =	vst v10  }
0xf9: {  	[tilespmem:s2+$0xFFFFFFD0] =	vst v6;
	v6 =	vmul.f32 v17, v7  }
0xfa: {  	v5 =	vmul.f32 v18, v5;
	[tilespmem:s2+$0xFFFFFFE0] =	vst v8  }
0xfb: {  	v3 =	vmul.f32 v19, v3;
	[tilespmem:s2+$0xFFFFFFF0] =	vst v6  }
0xfc: {  	v2 =	vmul.f32 v11, v2;
	[tilespmem:s2+$0x0] =	vst v5  }
0xfd: {  	v1 =	vmul.f32 v12, v1;
	[tilespmem:s2+$0x10] =	vst v3  }
0xfe: {  	v0 =	vmul.f32 v4, v0;
	[tilespmem:s2+$0x20] =	vst v2  }
0xff: {  	[tilespmem:s16+$0x1D780] =	vst v1  }
0x100: {  	s17 =	sadd.s32 $0xA0, s17;
	[tilespmem:s2+$0x40] =	vst v0  }
0x101: {  	v6 =	vld [tilespmem:s17+$0xFFFFFFB0]  }
0x102: {  	s16 =	sand.u32 $0x1FE0, s9;
	v0 =	vld [tilespmem:s17+$0x40]  }
0x103: {  	v1 =	vld [tilespmem:s16+$0x1B780]  }
0x104: {  	s7 =	sadd.s32 $0xA0, s7;
	v2 =	vld [tilespmem:s17+$0x20]  }
0x105: {  	v4 =	vld [tilespmem:s7+$0xFFFFFFB0]  }
0x106: {  	v12 =	vld [tilespmem:s7+$0x40]  }
0x107: {  	v3 =	vld [tilespmem:s17+$0x10]  }
0x108: {  	v5 =	vld [tilespmem:s17+$0x0]  }
0x109: {  	v7 =	vld [tilespmem:s17+$0xFFFFFFF0]  }
0x10a: {  	v8 =	vld [tilespmem:s17+$0xFFFFFFE0]  }
0x10b: {  	v9 =	vld [tilespmem:s17+$0xFFFFFFD0]  }
0x10c: {  	v10 =	vld [tilespmem:s17+$0xFFFFFFC0]  }
0x10d: {  	v11 =	vld.idx.msk [tilespmem:v4+s4+$0x0], $0xffff  }
0x10e: {  	v4 =	vld.idx.msk [tilespmem:v12+s4+$0x0], $0xffff  }
0x10f: {  	v14 =	vld [tilespmem:s7+$0xFFFFFFC0]  }
0x110: {  	v15 =	vld [tilespmem:s7+$0xFFFFFFD0]  }
0x111: {  	v16 =	vld [tilespmem:s7+$0xFFFFFFE0]  }
.Ltmp3:
0x112: {  	v17 =	vld [tilespmem:s7+$0xFFFFFFF0];
	(pc) =	sbr.rel @p0 .LBB2_5-.Ltmp3, $4  }
0x113: {  	v18 =	vld [tilespmem:s7+$0x0]  }
0x114: {  	v19 =	vld [tilespmem:s7+$0x10]  }
0x115: {  	v13 =	vld [tilespmem:s7+$0x20]  }
0x116: {  	s9 =	sadd.s32 $0xA0, s9;
	v12 =	vld [tilespmem:s16+$0x19780]  }
0x117: {  	_ =	sdelay $0x3  }
0x118: {  	v14 =	vld.idx.msk [tilespmem:v14+s4+$0x0], $0xffff  }
0x119: {  	v15 =	vld.idx.msk [tilespmem:v15+s4+$0x0], $0xffff  }
0x11a: {  	v16 =	vld.idx.msk [tilespmem:v16+s4+$0x0], $0xffff  }
0x11b: {  	v17 =	vld.idx.msk [tilespmem:v17+s4+$0x0], $0xffff  }
0x11c: {  	v18 =	vld.idx.msk [tilespmem:v18+s4+$0x0], $0xffff  }
0x11d: {  	v6 =	vmul.f32 v11, v6;
	v19 =	vld.idx.msk [tilespmem:v19+s4+$0x0], $0xffff  }
0x11e: {  	s2 =	sadd.s32 $0xA0, s2;
	v61 =	vld.idx.msk [tilespmem:v13+s4+$0x0], $0xffff;
	v10 =	vmul.f32 v14, v10  }
0x11f: {  	v12 =	vld.idx.msk [tilespmem:v12+s4+$0x0], $0xffff;
	[tilespmem:s2+$0xFFFFFFB0] =	vst v6;
	v62 =	vmul.f32 v15, v9  }
0x120: {  	v8 =	vmul.f32 v16, v8;
	[tilespmem:s2+$0xFFFFFFC0] =	vst v10  }
0x121: {  	v63 =	vmul.f32 v17, v7;
	[tilespmem:s2+$0xFFFFFFD0] =	vst v62  }
0x122: {  	v5 =	vmul.f32 v18, v5;
	[tilespmem:s2+$0xFFFFFFE0] =	vst v8  }
0x123: {  	[tilespmem:s2+$0xFFFFFFF0] =	vst v63;
	v3 =	vmul.f32 v19, v3  }
0x124: {  	[tilespmem:s2+$0x0] =	vst v5;
	v2 =	vmul.f32 v61, v2  }
.Ltmp4:
0x125: {  	[tilespmem:s2+$0x10] =	vst v3;
	v1 =	vmul.f32 v12, v1;
	(pc) =	sbr.rel @p1 .LBB2_8-.Ltmp4, $4  }
0x126: {  	v0 =	vmul.f32 v4, v0;
	s7 =	sadd.s32 s1, s8;
	[tilespmem:s2+$0x20] =	vst v2  }
0x127: {  	s7 =	sshrl.u32 s7, $0x3;
	[tilespmem:s16+$0x1D780] =	vst v1  }
0x128: {  	s17 =	sadd.s32 s3, s7;
	[tilespmem:s2+$0x40] =	vst v0  }
0x129: {  	[hbm4b:s17+s4] =	stream.linear.scatter [tilespmem:s26], [sflag:$0x6], $0xFA0, $0x38;
	[tilespmem:$0x1E700] =	vst v63  }
0x12a: {  	s1 =	sadd.s32 s1, s14  }
.Ltmp5:
0x12b: {  	s1 =	sshrl.u32 s1, $0x3;
	(pc) =	sbr.rel .LBB2_2-.Ltmp5, $4  }
0x12c: {  	s2 =	sadd.s32 s0, s1  }
0x12d: {  	[tilespmem:s18], [sflag:$0x2] =	stream.linear.gather [hbm4b:s2+s4], $0xFA0, $0x38;
	[tilespmem:$0x1E700] =	vst v63  }
0x12e: {  	s31 =	sadd.s32 $0x1, s31;
	s1 =	sadd.s32 s6, s1  }
0x12f: {  	[tilespmem:s19], [sflag:$0x4] =	stream.linear.gather [hbm4b:s1+s4], $0xFA0, $0x38;
	[tilespmem:$0x1E700] =	vst v63  }
.LBB2_9:
0x130: {  	_ =	sfence.sel $0x180000  }
0x131: {  	[bflag:$0x0] =	sbarrier.arrive $0xFFFF  }
0x132: {  	_ =	strace $0x9000004A  }
0x133: {  	s0 =	stileid.u32;
	[bflag:$0x2] =	sbarrier.arrive $0xFFFF  }
0x134: {  	p0 =	sne.s32 s0, $0x0;
	s0 =	rddreg [dreg:$0x3]  }
0x135: {  	s0 =	sadd.s32 @!p0 $0x100000, s0  }
0x136: {  	[sflag:s0] =	ssyncadd.tile.s32 @!p0 $0x1;
	_ =	shalt  }
.Lfunc_end2:
_tile_overlayer_lowered:
.L_overlay_start_2:
0x137: {  	(tag) =	ssettag $0x2  }
0x138: {  	s0 =	rddreg [dreg:$0x0];
	s2 =	stileid.u32  }
0x139: {  	s1 =	rddreg [dreg:$0x1];
	p0 =	sne.s32 s2, $0x0  }
0x13a: {  	s3 =	rddreg [dreg:$0x2];
	[bflag:$0x3] =	sbarrier.arrive $0xFFFF;
	s2 =	simm.s32 @!p0 $0x1C08  }
0x13b: {  	[timem:s3], [sflag:s2] =	dma.local @!p0 [hbm:s0], s1  }
0x13c: {  	s0 =	simm.s32 @!p0 $0x8  }
0x13d: {  	_ =	swait.ge @!p0 [sflag:s0], s1  }
0x13e: {  	s1 =	ssub.s32 @!p0 $0x0, s1;
	[sflag:s0] =	ssyncset.done @!p0 $0x0  }
0x13f: {  	[sflag:s0] =	ssyncadd.s32 @!p0 s1  }
0x140: {  	[bflag:$0x3] =	sbarrier.arrive $0xFFFF  }
0x141: {  	_ =	shalt  }

</sc_bundles>
